<compile_context>
chip_gen: v7x
topology: tpu7x:2x2x1
jax: 0.10.2.dev20260603
libtpu: 0.0.44.dev20260713+nightly
codegen_flags: <defaults>
</compile_context>

<pallas_src>
import functools

import jax
import jax.numpy as jnp
from jax import lax
from jax.experimental import pallas as pl
from jax.experimental.pallas import tpu as pltpu
from jax.experimental.pallas import tpu_sc as plsc

B = 4096
DN = 13
F = 26
V = 100000
D = 32

NC = 2
NS = 16
NW = NC * NS
R = (B * F) // NW
CH = 128
C = R // CH


def _sc_gather(tables_flat, sparse_flat):
    mesh = plsc.VectorSubcoreMesh(core_axis_name="c", subcore_axis_name="s")

    @functools.partial(
        pl.kernel,
        out_type=jax.ShapeDtypeStruct((B * F, D), jnp.float32),
        mesh=mesh,
        scratch_types=[
            pltpu.VMEM((R,), jnp.int32),
            pltpu.VMEM((C, CH), jnp.int32),
            pltpu.VMEM((R, D), jnp.float32),
            pltpu.SemaphoreType.DMA,
        ],
        compiler_params=pltpu.CompilerParams(use_tc_tiling_on_sc=False),
    )
    def k(tab_hbm, sp_hbm, out_hbm, raw_v, idx_v, rows_v, sem):
        wid = lax.axis_index("s") * NC + lax.axis_index("c")
        base = wid * R
        pltpu.sync_copy(sp_hbm.at[pl.ds(base, R)], raw_v)

        def hash_body(i, _):
            s = raw_v[pl.ds(i * 16, 16)]
            pos = (base + i * 16) + lax.iota(jnp.int32, 16)
            g = (pos % F) * V + (s + 1) % V
            idx_v[i // 8, pl.ds((i % 8) * 16, 16)] = g
            return 0

        lax.fori_loop(0, R // 16, hash_body, 0)

        def fire(j, _):
            pltpu.async_copy(tab_hbm.at[idx_v.at[j]],
                             rows_v.at[pl.ds(j * CH, CH)], sem)
            return 0

        lax.fori_loop(0, C, fire, 0)
        pltpu.make_async_copy(tab_hbm.at[pl.ds(0, R)], rows_v, sem).wait()
        pltpu.sync_copy(rows_v, out_hbm.at[pl.ds(base, R)])

    return k(tables_flat, sparse_flat)


BB = 512


def _mlp_body(dense_ref, emb_ref, mean_ref, std_ref, W1_ref, b1_ref, W2_ref,
              b2_ref, W3_ref, b3_ref, P1a_ref, P1b_ref, pb1_ref, P2_ref,
              pb2_ref, P3_ref, pb3_ref, out_ref):
    x = (dense_ref[...] - mean_ref[...]) / std_ref[...]
    h = jnp.maximum(jnp.dot(x, W1_ref[...], preferred_element_type=jnp.float32)
                    + b1_ref[...], 0.0)
    h = jnp.maximum(jnp.dot(h, W2_ref[...], preferred_element_type=jnp.float32)
                    + b2_ref[...], 0.0)
    dense_out = jnp.dot(h, W3_ref[...], preferred_element_type=jnp.float32) + b3_ref[...]
    h1 = jnp.dot(dense_out, P1a_ref[...], preferred_element_type=jnp.float32)
    h1 = h1 + jnp.dot(emb_ref[...], P1b_ref[...], preferred_element_type=jnp.float32)
    h1 = jnp.maximum(h1 + pb1_ref[...], 0.0)
    h2 = jnp.maximum(jnp.dot(h1, P2_ref[...], preferred_element_type=jnp.float32)
                     + pb2_ref[...], 0.0)
    logit = jnp.sum(h2 * P3_ref[...], axis=1) + pb3_ref[0, 0]
    out_ref[...] = jax.nn.sigmoid(logit)


def _tc_mlp(dense, emb, mean_r, std_r, W1, b1r, W2, b2r, W3, b3r, P1a, P1b,
            pb1r, P2, pb2r, P3r, pb3r):
    grid = (B // BB,)

    def full(shape):
        return pl.BlockSpec(shape, lambda i: (0, 0))

    return pl.pallas_call(
        _mlp_body,
        grid=grid,
        in_specs=[
            pl.BlockSpec((BB, DN), lambda i: (i, 0)),
            pl.BlockSpec((BB, F * D), lambda i: (i, 0)),
            full((1, DN)), full((1, DN)),
            full((DN, 512)), full((1, 512)),
            full((512, 256)), full((1, 256)),
            full((256, D)), full((1, D)),
            full((D, 512)), full((F * D, 512)), full((1, 512)),
            full((512, 256)), full((1, 256)),
            full((1, 256)), full((1, 1)),
        ],
        out_specs=pl.BlockSpec((BB,), lambda i: (i,)),
        out_shape=jax.ShapeDtypeStruct((B,), jnp.float32),
    )(dense, emb, mean_r, std_r, W1, b1r, W2, b2r, W3, b3r, P1a, P1b, pb1r,
      P2, pb2r, P3r, pb3r)


def kernel(dense_features, sparse_features, mean, std, W1, b1, W2, b2, W3, b3,
           tables, P1, pb1, P2, pb2, P3, pb3):
    emb_flat = _sc_gather(tables.reshape(F * V, D),
                          sparse_features.reshape(B * F))
    emb = emb_flat.reshape(B, F * D)
    return _tc_mlp(dense_features, emb, mean.reshape(1, DN), std.reshape(1, DN),
                   W1, b1.reshape(1, 512), W2, b2.reshape(1, 256), W3,
                   b3.reshape(1, D), P1[:D], P1[D:], pb1.reshape(1, 512),
                   P2, pb2.reshape(1, 256), P3.reshape(1, 256),
                   pb3.reshape(1, 1))

# --- scband reference (transcript-rebuilt; emitter-appended) ---
"""Pipeline reference for scband-dlrm-7834020348524 (READ-ONLY COPY).

The authoritative reference and input builder live on the scoring server;
editing this copy changes nothing except your own understanding.
"""

import jax, jax.numpy as jnp
import numpy as np

B = 4096
DN = 13
F = 26
V = 100000
D = 32

def setup_inputs(seed: int = 0) -> dict:
    key = jax.random.key(seed)
    ks = jax.random.split(key, 16)
    dense_features = jax.random.normal(ks[0], (B, DN), dtype=jnp.float32)
    sparse_features = jax.random.randint(ks[1], (B, F), 0, V, dtype=jnp.int32)
    mean = jnp.zeros((DN,), jnp.float32)
    std = jnp.ones((DN,), jnp.float32)
    # Dense arch MLP: 13 -> 512 -> 256 -> 32
    W1 = jax.random.normal(ks[2], (DN, 512), dtype=jnp.float32) * 0.05
    b1 = jnp.zeros((512,), jnp.float32)
    W2 = jax.random.normal(ks[3], (512, 256), dtype=jnp.float32) * 0.05
    b2 = jnp.zeros((256,), jnp.float32)
    W3 = jax.random.normal(ks[4], (256, 32), dtype=jnp.float32) * 0.05
    b3 = jnp.zeros((32,), jnp.float32)
    # 26 embedding tables, each [V, D], stacked
    tables = jax.random.normal(ks[5], (F, V, D), dtype=jnp.float32) * 0.05
    # Prediction MLP: (32 + 26*32)=864 -> 512 -> 256 -> 1 ('cat' interaction)
    cin = 32 + F * D
    P1 = jax.random.normal(ks[6], (cin, 512), dtype=jnp.float32) * 0.05
    pb1 = jnp.zeros((512,), jnp.float32)
    P2 = jax.random.normal(ks[7], (512, 256), dtype=jnp.float32) * 0.05
    pb2 = jnp.zeros((256,), jnp.float32)
    P3 = jax.random.normal(ks[8], (256, 1), dtype=jnp.float32) * 0.05
    pb3 = jnp.zeros((1,), jnp.float32)
    return {"dense_features": dense_features, "sparse_features": sparse_features,
            "mean": mean, "std": std,
            "W1": W1, "b1": b1, "W2": W2, "b2": b2, "W3": W3, "b3": b3,
            "tables": tables,
            "P1": P1, "pb1": pb1, "P2": P2, "pb2": pb2, "P3": P3, "pb3": pb3}

def reference(dense_features, sparse_features, mean, std, W1, b1, W2, b2, W3, b3, tables, P1, pb1, P2, pb2, P3, pb3):
    vocab = tables.shape[1]
    # DenseArch: normalize + MLP
    x = (dense_features - mean) / std
    h = jax.nn.relu(x @ W1 + b1)
    h = jax.nn.relu(h @ W2 + b2)
    dense_out = h @ W3 + b3  # [B, 32]
    # SparseArch: modulus hash then per-field embedding lookup (gather)
    hashed = (sparse_features + 1) % vocab  # [B, F]
    emb = jax.vmap(lambda t, i: jnp.take(t, i, axis=0), in_axes=(0, 1), out_axes=1)(tables, hashed)  # [B, F, D]
    sparse_flat = emb.reshape(emb.shape[0], -1)  # [B, F*D]
    # Interaction: 'cat' -> concat + flatten
    concat = jnp.concatenate([dense_out, sparse_flat], axis=-1)  # [B, 864]
    # Prediction MLP + sigmoid
    h = jax.nn.relu(concat @ P1 + pb1)
    h = jax.nn.relu(h @ P2 + pb2)
    out = jax.nn.sigmoid(h @ P3 + pb3)
    return jnp.squeeze(out, axis=-1)  # [B]

if __name__ == "__main__":
    import jax
    _d = setup_inputs()
    print(jax.jit(kernel)(*tuple(_d.values())))

</pallas_src>

<mosaic_0001>
#map = affine_map<(d0, d1) -> (0, 0)>
#map1 = affine_map<(d0, d1) -> (0)>
module attributes {stable_mosaic.version = 14 : i64} {
  func.func @k(%arg0: i32, %arg1: i32, %arg2: memref<2600000x32xf32, #tpu.memory_space<hbm>>, %arg3: memref<106496xi32, #tpu.memory_space<hbm>>, %arg4: memref<106496x32xf32, #tpu.memory_space<hbm>>, %arg5: memref<3328xi32, #tpu.memory_space<vmem>>, %arg6: memref<26x128xi32, #tpu.memory_space<vmem>>, %arg7: memref<3328x32xf32, #tpu.memory_space<vmem>>, %arg8: memref<!tpu.dma_semaphore, #tpu.memory_space<semaphore_mem>>) attributes {dimension_semantics = [#tpu.dimension_semantics<core_parallel>, #tpu.dimension_semantics<subcore_parallel>], iteration_bounds = array<i64: 2, 16>, scalar_prefetch = 0 : i64, scratch_operands = 4 : i64, tpu.core_type = #tpu.core_type<sc_vector_subcore>, window_params = [{transform_indices = #map}, {transform_indices = #map1}, {transform_indices = #map}]} {
    %mul3A = arith.constant 2 : i32
    %mul3A_0 = arith.muli %arg1, %mul3A : i32
    %add3A = arith.addi %mul3A_0, %arg0 : i32
    %mul3A_1 = arith.constant 3328 : i32
    %mul3A_2 = arith.muli %add3A, %mul3A_1 : i32
    "tpu.region"() ({
      %run_scoped3A = tpu.sem_alloc : memref<!tpu.dma_semaphore, #tpu.memory_space<semaphore_mem>>
      %dma_start3A = tpu.memref_slice %arg3[%mul3A_2] : memref<106496xi32, #tpu.memory_space<hbm>> -> memref<3328xi32, #tpu.memory_space<hbm>>
      %dma_start3A_21 = tpu.memref_slice %arg3[%mul3A_2] : memref<106496xi32, #tpu.memory_space<hbm>> -> memref<3328xi32, #tpu.memory_space<hbm>>
      tpu.enqueue_dma source(%dma_start3A_21 : memref<3328xi32, #tpu.memory_space<hbm>>) target(%arg5 : memref<3328xi32, #tpu.memory_space<vmem>>) target_semaphore(%run_scoped3A : memref<!tpu.dma_semaphore, #tpu.memory_space<semaphore_mem>>)
      %dma_wait3A_22 = tpu.memref_slice %arg3[%mul3A_2] : memref<106496xi32, #tpu.memory_space<hbm>> -> memref<3328xi32, #tpu.memory_space<hbm>>
      %dma_wait3A_23 = tpu.memref_slice %arg3[%mul3A_2] : memref<106496xi32, #tpu.memory_space<hbm>> -> memref<3328xi32, #tpu.memory_space<hbm>>
      tpu.wait_dma2 semaphore(%run_scoped3A : memref<!tpu.dma_semaphore, #tpu.memory_space<semaphore_mem>>) src(%dma_wait3A_23 : memref<3328xi32, #tpu.memory_space<hbm>>) dst(%arg5 : memref<3328xi32, #tpu.memory_space<vmem>>)
      tpu.yield
    }) : () -> ()
    %scan3A = arith.constant 0 : i32
    %scan3A_3 = arith.constant 0 : i32
    %scan3A_4 = arith.constant 208 : i32
    %scan3A_5 = arith.addi %scan3A_3, %scan3A_4 : i32
    %scan3A_6 = arith.constant 1 : i32
    %scan3A_7 = scf.for %scan3A_21 = %scan3A_3 to %scan3A_5 step %scan3A_6 iter_args(%scan3A_22 = %scan3A) -> (i32)  : i32 {
      %mul3A_23 = arith.constant 16 : i32
      %mul3A_24 = arith.muli %scan3A_21, %mul3A_23 : i32
      %get3A = arith.index_cast %mul3A_24 : i32 to index
      %get3A_25 = tpu.vector_load %arg5[%get3A] {strides = array<i32>} : memref<3328xi32, #tpu.memory_space<vmem>>, vector<16xi32>,
      %get3A_26 = vector.shape_cast %get3A_25 : vector<16xi32> to vector<16xi32>
      %mul3A_27 = arith.constant 16 : i32
      %mul3A_28 = arith.muli %scan3A_21, %mul3A_27 : i32
      %add3A_29 = arith.addi %mul3A_2, %mul3A_28 : i32
      %iota3A = tpu.iota {dimensions = array<i32: 0>} : vector<16xi32>
      %add3A_30 = vector.broadcast %add3A_29 : i32 to vector<16xi32>
      %add3A_31 = arith.addi %add3A_30, %iota3A : vector<16xi32>
      %jit3A = arith.constant 26 : i32
      %eq3A = arith.constant 0 : i32
      %eq3A_32 = arith.cmpi eq, %jit3A, %eq3A : i32
      %jit3A_33 = arith.constant 1 : i32
      %select_n3A = arith.select %eq3A_32, %jit3A_33, %jit3A : i32
      %rem3A = vector.broadcast %select_n3A : i32 to vector<16xi32>
      %rem3A_34 = arith.remsi %add3A_31, %rem3A : vector<16xi32>
      %ne3A = arith.constant 0 : i32
      %ne3A_35 = vector.broadcast %ne3A : i32 to vector<16xi32>
      %ne3A_36 = arith.cmpi ne, %rem3A_34, %ne3A_35 : vector<16xi32>
      %lt3A = arith.constant 0 : i32
      %lt3A_37 = vector.broadcast %lt3A : i32 to vector<16xi32>
      %lt3A_38 = arith.cmpi slt, %rem3A_34, %lt3A_37 : vector<16xi32>
      %lt3A_39 = arith.constant 0 : i32
      %lt3A_40 = arith.cmpi slt, %select_n3A, %lt3A_39 : i32
      %ne3A_41 = vector.broadcast %lt3A_40 : i1 to vector<16xi1>
      %ne3A_42 = vector.broadcast %ne3A_41 : vector<16xi1> to vector<16xi1>
      %ne3A_43 = arith.xori %lt3A_38, %ne3A_42 : vector<16xi1>
      %and3A = arith.andi %ne3A_43, %ne3A_36 : vector<16xi1>
      %add3A_44 = vector.broadcast %select_n3A : i32 to vector<16xi32>
      %add3A_45 = arith.addi %rem3A_34, %add3A_44 : vector<16xi32>
      %select_n3A_46 = arith.select %and3A, %add3A_45, %rem3A_34 : vector<16xi1>, vector<16xi32>
      %mul3A_47 = arith.constant 100000 : i32
      %mul3A_48 = vector.broadcast %mul3A_47 : i32 to vector<16xi32>
      %mul3A_49 = arith.muli %select_n3A_46, %mul3A_48 : vector<16xi32>
      %add3A_50 = arith.constant 1 : i32
      %add3A_51 = vector.broadcast %add3A_50 : i32 to vector<16xi32>
      %add3A_52 = arith.addi %get3A_26, %add3A_51 : vector<16xi32>
      %jit3A_53 = arith.constant 100000 : i32
      %eq3A_54 = arith.constant 0 : i32
      %eq3A_55 = arith.cmpi eq, %jit3A_53, %eq3A_54 : i32
      %jit3A_56 = arith.constant 1 : i32
      %select_n3A_57 = arith.select %eq3A_55, %jit3A_56, %jit3A_53 : i32
      %rem3A_58 = vector.broadcast %select_n3A_57 : i32 to vector<16xi32>
      %rem3A_59 = arith.remsi %add3A_52, %rem3A_58 : vector<16xi32>
      %ne3A_60 = arith.constant 0 : i32
      %ne3A_61 = vector.broadcast %ne3A_60 : i32 to vector<16xi32>
      %ne3A_62 = arith.cmpi ne, %rem3A_59, %ne3A_61 : vector<16xi32>
      %lt3A_63 = arith.constant 0 : i32
      %lt3A_64 = vector.broadcast %lt3A_63 : i32 to vector<16xi32>
      %lt3A_65 = arith.cmpi slt, %rem3A_59, %lt3A_64 : vector<16xi32>
      %lt3A_66 = arith.constant 0 : i32
      %lt3A_67 = arith.cmpi slt, %select_n3A_57, %lt3A_66 : i32
      %ne3A_68 = vector.broadcast %lt3A_67 : i1 to vector<16xi1>
      %ne3A_69 = vector.broadcast %ne3A_68 : vector<16xi1> to vector<16xi1>
      %ne3A_70 = arith.xori %lt3A_65, %ne3A_69 : vector<16xi1>
      %and3A_71 = arith.andi %ne3A_70, %ne3A_62 : vector<16xi1>
      %add3A_72 = vector.broadcast %select_n3A_57 : i32 to vector<16xi32>
      %add3A_73 = arith.addi %rem3A_59, %add3A_72 : vector<16xi32>
      %select_n3A_74 = arith.select %and3A_71, %add3A_73, %rem3A_59 : vector<16xi1>, vector<16xi32>
      %add3A_75 = arith.addi %mul3A_49, %select_n3A_74 : vector<16xi32>
      %jit3A_76 = arith.constant 8 : i32
      %div3A = arith.divsi %scan3A_21, %jit3A_76 : i32
      %sign3A = arith.constant 0 : i32
      %sign3A_77 = arith.cmpi sgt, %scan3A_21, %sign3A : i32
      %sign3A_78 = arith.extui %sign3A_77 : i1 to i32
      %sign3A_79 = arith.constant 0 : i32
      %sign3A_80 = arith.cmpi slt, %scan3A_21, %sign3A_79 : i32
      %sign3A_81 = arith.extui %sign3A_80 : i1 to i32
      %sign3A_82 = arith.subi %sign3A_78, %sign3A_81 : i32
      %sign3A_83 = arith.constant 0 : i32
      %sign3A_84 = arith.cmpi sgt, %jit3A_76, %sign3A_83 : i32
      %sign3A_85 = arith.extui %sign3A_84 : i1 to i32
      %sign3A_86 = arith.constant 0 : i32
      %sign3A_87 = arith.cmpi slt, %jit3A_76, %sign3A_86 : i32
      %sign3A_88 = arith.extui %sign3A_87 : i1 to i32
      %sign3A_89 = arith.subi %sign3A_85, %sign3A_88 : i32
      %ne3A_90 = arith.cmpi ne, %sign3A_82, %sign3A_89 : i32
      %rem3A_91 = arith.remsi %scan3A_21, %jit3A_76 : i32
      %ne3A_92 = arith.constant 0 : i32
      %ne3A_93 = arith.cmpi ne, %rem3A_91, %ne3A_92 : i32
      %and3A_94 = arith.andi %ne3A_90, %ne3A_93 : i1
      %sub3A = arith.constant 1 : i32
      %sub3A_95 = arith.subi %div3A, %sub3A : i32
      %select_n3A_96 = arith.select %and3A_94, %sub3A_95, %div3A : i32
      %jit3A_97 = arith.constant 8 : i32
      %eq3A_98 = arith.constant 0 : i32
      %eq3A_99 = arith.cmpi eq, %jit3A_97, %eq3A_98 : i32
      %jit3A_100 = arith.constant 1 : i32
      %select_n3A_101 = arith.select %eq3A_99, %jit3A_100, %jit3A_97 : i32
      %rem3A_102 = arith.remsi %scan3A_21, %select_n3A_101 : i32
      %ne3A_103 = arith.constant 0 : i32
      %ne3A_104 = arith.cmpi ne, %rem3A_102, %ne3A_103 : i32
      %lt3A_105 = arith.constant 0 : i32
      %lt3A_106 = arith.cmpi slt, %rem3A_102, %lt3A_105 : i32
      %lt3A_107 = arith.constant 0 : i32
      %lt3A_108 = arith.cmpi slt, %select_n3A_101, %lt3A_107 : i32
      %ne3A_109 = arith.xori %lt3A_106, %lt3A_108 : i1
      %and3A_110 = arith.andi %ne3A_109, %ne3A_104 : i1
      %add3A_111 = arith.addi %rem3A_102, %select_n3A_101 : i32
      %select_n3A_112 = arith.select %and3A_110, %add3A_111, %rem3A_102 : i32
      %mul3A_113 = arith.constant 16 : i32
      %mul3A_114 = arith.muli %select_n3A_112, %mul3A_113 : i32
      %swap3A = arith.index_cast %select_n3A_96 : i32 to index
      %swap3A_115 = arith.index_cast %mul3A_114 : i32 to index
      %swap3A_116 = tpu.vector_load %arg6[%swap3A, %swap3A_115] {strides = array<i32>} : memref<26x128xi32, #tpu.memory_space<vmem>>, vector<1x16xi32>,
      %swap3A_117 = vector.shape_cast %swap3A_116 : vector<1x16xi32> to vector<16xi32>
      %swap3A_118 = vector.shape_cast %add3A_75 : vector<16xi32> to vector<1x16xi32>
      tpu.vector_store %arg6[%swap3A, %swap3A_115], %swap3A_118 {strides = array<i32>} : memref<26x128xi32, #tpu.memory_space<vmem>>, vector<1x16xi32>,
      %scan3A_119 = arith.constant 0 : i32
      scf.yield %scan3A_119 : i32
    }
    %scan3A_8 = arith.constant 208 : i32
    %scan3A_9 = arith.constant 0 : i32
    %scan3A_10 = arith.constant 0 : i32
    %scan3A_11 = arith.constant 26 : i32
    %scan3A_12 = arith.addi %scan3A_10, %scan3A_11 : i32
    %scan3A_13 = arith.constant 1 : i32
    %scan3A_14 = scf.for %scan3A_21 = %scan3A_10 to %scan3A_12 step %scan3A_13 iter_args(%scan3A_22 = %scan3A_9) -> (i32)  : i32 {
      %mul3A_23 = arith.constant 128 : i32
      %mul3A_24 = arith.muli %scan3A_21, %mul3A_23 : i32
      %dma_start3A = arith.constant 0 : i32
      %dma_start3A_25 = tpu.memref_slice %arg7[%mul3A_24, %dma_start3A] : memref<3328x32xf32, #tpu.memory_space<vmem>> -> memref<128x32xf32, #tpu.memory_space<vmem>>
      %dma_start3A_26 = arith.constant 0 : i32
      %dma_start3A_27 = tpu.memref_slice %arg6[%scan3A_21, %dma_start3A_26] : memref<26x128xi32, #tpu.memory_space<vmem>> -> memref<1x128xi32, #tpu.memory_space<vmem>>
      %dma_start3A_28 = tpu.memref_squeeze %dma_start3A_27 : memref<1x128xi32, #tpu.memory_space<vmem>> -> memref<128xi32, #tpu.memory_space<vmem>>
      %dma_start3A_29 = arith.constant 0 : i32
      %dma_start3A_30 = arith.constant 0 : i32
      %dma_start3A_31 = tpu.memref_slice %arg2[%dma_start3A_29, %dma_start3A_30] : memref<2600000x32xf32, #tpu.memory_space<hbm>> -> memref<2600000x32xf32, #tpu.memory_space<hbm>>
      tpu.enqueue_indirect_dma source(%dma_start3A_31 : memref<2600000x32xf32, #tpu.memory_space<hbm>>) target(%dma_start3A_25 : memref<128x32xf32, #tpu.memory_space<vmem>>) offsets(%dma_start3A_28 : memref<128xi32, #tpu.memory_space<vmem>>) semaphore(%arg8 : memref<!tpu.dma_semaphore, #tpu.memory_space<semaphore_mem>>)
      %scan3A_32 = arith.constant 0 : i32
      scf.yield %scan3A_32 : i32
    }
    %scan3A_15 = arith.constant 26 : i32
    %dma_wait3A = arith.constant 0 : i32
    %dma_wait3A_16 = arith.constant 0 : i32
    %dma_wait3A_17 = tpu.memref_slice %arg2[%dma_wait3A, %dma_wait3A_16] : memref<2600000x32xf32, #tpu.memory_space<hbm>> -> memref<3328x32xf32, #tpu.memory_space<hbm>>
    %dma_wait3A_18 = arith.constant 0 : i32
    %dma_wait3A_19 = arith.constant 0 : i32
    %dma_wait3A_20 = tpu.memref_slice %arg2[%dma_wait3A_18, %dma_wait3A_19] : memref<2600000x32xf32, #tpu.memory_space<hbm>> -> memref<3328x32xf32, #tpu.memory_space<hbm>>
    tpu.wait_dma2 semaphore(%arg8 : memref<!tpu.dma_semaphore, #tpu.memory_space<semaphore_mem>>) src(%dma_wait3A_20 : memref<3328x32xf32, #tpu.memory_space<hbm>>) dst(%arg7 : memref<3328x32xf32, #tpu.memory_space<vmem>>)
    "tpu.region"() ({
      %run_scoped3A = tpu.sem_alloc : memref<!tpu.dma_semaphore, #tpu.memory_space<semaphore_mem>>
      %dma_start3A = arith.constant 0 : i32
      %dma_start3A_21 = tpu.memref_slice %arg4[%mul3A_2, %dma_start3A] : memref<106496x32xf32, #tpu.memory_space<hbm>> -> memref<3328x32xf32, #tpu.memory_space<hbm>>
      %dma_start3A_22 = arith.constant 0 : i32
      %dma_start3A_23 = tpu.memref_slice %arg4[%mul3A_2, %dma_start3A_22] : memref<106496x32xf32, #tpu.memory_space<hbm>> -> memref<3328x32xf32, #tpu.memory_space<hbm>>
      tpu.enqueue_dma source(%arg7 : memref<3328x32xf32, #tpu.memory_space<vmem>>) target(%dma_start3A_23 : memref<3328x32xf32, #tpu.memory_space<hbm>>) target_semaphore(%run_scoped3A : memref<!tpu.dma_semaphore, #tpu.memory_space<semaphore_mem>>)
      %dma_wait3A_24 = arith.constant 0 : i32
      %dma_wait3A_25 = tpu.memref_slice %arg4[%mul3A_2, %dma_wait3A_24] : memref<106496x32xf32, #tpu.memory_space<hbm>> -> memref<3328x32xf32, #tpu.memory_space<hbm>>
      %dma_wait3A_26 = arith.constant 0 : i32
      %dma_wait3A_27 = tpu.memref_slice %arg4[%mul3A_2, %dma_wait3A_26] : memref<106496x32xf32, #tpu.memory_space<hbm>> -> memref<3328x32xf32, #tpu.memory_space<hbm>>
      tpu.wait_dma2 semaphore(%run_scoped3A : memref<!tpu.dma_semaphore, #tpu.memory_space<semaphore_mem>>) src(%arg7 : memref<3328x32xf32, #tpu.memory_space<vmem>>) dst(%dma_wait3A_27 : memref<3328x32xf32, #tpu.memory_space<hbm>>)
      tpu.yield
    }) : () -> ()
    return
  }
}

module attributes {stable_mosaic.version = 14 : i64} {
  func.func @_mlp_body(%arg0: i32, %arg1: memref<512x13xf32, #tpu.memory_space<vmem>>, %arg2: memref<512x832xf32, #tpu.memory_space<vmem>>, %arg3: memref<1x13xf32, #tpu.memory_space<vmem>>, %arg4: memref<1x13xf32, #tpu.memory_space<vmem>>, %arg5: memref<13x512xf32, #tpu.memory_space<vmem>>, %arg6: memref<1x512xf32, #tpu.memory_space<vmem>>, %arg7: memref<512x256xf32, #tpu.memory_space<vmem>>, %arg8: memref<1x256xf32, #tpu.memory_space<vmem>>, %arg9: memref<256x32xf32, #tpu.memory_space<vmem>>, %arg10: memref<1x32xf32, #tpu.memory_space<vmem>>, %arg11: memref<32x512xf32, #tpu.memory_space<vmem>>, %arg12: memref<832x512xf32, #tpu.memory_space<vmem>>, %arg13: memref<1x512xf32, #tpu.memory_space<vmem>>, %arg14: memref<512x256xf32, #tpu.memory_space<vmem>>, %arg15: memref<1x256xf32, #tpu.memory_space<vmem>>, %arg16: memref<1x256xf32, #tpu.memory_space<vmem>>, %arg17: memref<1x1xf32, #tpu.memory_space<vmem>>, %arg18: memref<512xf32, #tpu.memory_space<vmem>>) attributes {dimension_semantics = [#tpu.dimension_semantics<arbitrary>], iteration_bounds = array<i64: 8>, scalar_prefetch = 0 : i64, scratch_operands = 0 : i64, tpu.core_type = #tpu.core_type<tc>, window_params = [{transform_indices = @transform_0, window_bounds = array<i64: 512, 13>}, {transform_indices = @transform_1, window_bounds = array<i64: 512, 832>}, {pipeline_mode = #tpu.pipeline_mode<synchronous>, transform_indices = @transform_2, window_bounds = array<i64: 1, 13>}, {pipeline_mode = #tpu.pipeline_mode<synchronous>, transform_indices = @transform_3, window_bounds = array<i64: 1, 13>}, {pipeline_mode = #tpu.pipeline_mode<synchronous>, transform_indices = @transform_4, window_bounds = array<i64: 13, 512>}, {pipeline_mode = #tpu.pipeline_mode<synchronous>, transform_indices = @transform_5, window_bounds = array<i64: 1, 512>}, {pipeline_mode = #tpu.pipeline_mode<synchronous>, transform_indices = @transform_6, window_bounds = array<i64: 512, 256>}, {pipeline_mode = #tpu.pipeline_mode<synchronous>, transform_indices = @transform_7, window_bounds = array<i64: 1, 256>}, {pipeline_mode = #tpu.pipeline_mode<synchronous>, transform_indices = @transform_8, window_bounds = array<i64: 256, 32>}, {pipeline_mode = #tpu.pipeline_mode<synchronous>, transform_indices = @transform_9, window_bounds = array<i64: 1, 32>}, {pipeline_mode = #tpu.pipeline_mode<synchronous>, transform_indices = @transform_10, window_bounds = array<i64: 32, 512>}, {pipeline_mode = #tpu.pipeline_mode<synchronous>, transform_indices = @transform_11, window_bounds = array<i64: 832, 512>}, {pipeline_mode = #tpu.pipeline_mode<synchronous>, transform_indices = @transform_12, window_bounds = array<i64: 1, 512>}, {pipeline_mode = #tpu.pipeline_mode<synchronous>, transform_indices = @transform_13, window_bounds = array<i64: 512, 256>}, {pipeline_mode = #tpu.pipeline_mode<synchronous>, transform_indices = @transform_14, window_bounds = array<i64: 1, 256>}, {pipeline_mode = #tpu.pipeline_mode<synchronous>, transform_indices = @transform_15, window_bounds = array<i64: 1, 256>}, {pipeline_mode = #tpu.pipeline_mode<synchronous>, transform_indices = @transform_16, window_bounds = array<i64: 1, 1>}, {transform_indices = @transform_17, window_bounds = array<i64: 512>}]} {
    %get3A = arith.constant 0 : index
    %get3A_0 = arith.constant 0 : index
    %get3A_1 = vector.load %arg1[%get3A, %get3A_0] : memref<512x13xf32, #tpu.memory_space<vmem>>, vector<512x13xf32>
    %get3A_2 = arith.constant 0 : index
    %get3A_3 = arith.constant 0 : index
    %get3A_4 = vector.load %arg3[%get3A_2, %get3A_3] : memref<1x13xf32, #tpu.memory_space<vmem>>, vector<1x13xf32>
    %sub3A = vector.broadcast %get3A_4 : vector<1x13xf32> to vector<512x13xf32>
    %sub3A_5 = arith.subf %get3A_1, %sub3A : vector<512x13xf32>
    %get3A_6 = arith.constant 0 : index
    %get3A_7 = arith.constant 0 : index
    %get3A_8 = vector.load %arg4[%get3A_6, %get3A_7] : memref<1x13xf32, #tpu.memory_space<vmem>>, vector<1x13xf32>
    %div3A = vector.broadcast %get3A_8 : vector<1x13xf32> to vector<512x13xf32>
    %div3A_9 = arith.divf %sub3A_5, %div3A : vector<512x13xf32>
    %get3A_10 = arith.constant 0 : index
    %get3A_11 = arith.constant 0 : index
    %get3A_12 = vector.load %arg5[%get3A_10, %get3A_11] : memref<13x512xf32, #tpu.memory_space<vmem>>, vector<13x512xf32>
    %dot_general3A = arith.constant dense<0.000000e+00> : vector<512x512xf32>
    %dot_general3A_13 = tpu.matmul %div3A_9, %get3A_12, %dot_general3A {dimension_numbers = #tpu.dot_dimension_numbers<[1], [0], [0], [1], [0, 0, 1, 1], [], []>, transpose_lhs_hint = false} : vector<512x13xf32>, vector<13x512xf32>, vector<512x512xf32> -> vector<512x512xf32>
    %get3A_14 = arith.constant 0 : index
    %get3A_15 = arith.constant 0 : index
    %get3A_16 = vector.load %arg6[%get3A_14, %get3A_15] : memref<1x512xf32, #tpu.memory_space<vmem>>, vector<1x512xf32>
    %add3A = vector.broadcast %get3A_16 : vector<1x512xf32> to vector<512x512xf32>
    %add3A_17 = arith.addf %dot_general3A_13, %add3A : vector<512x512xf32>
    %max3A = arith.constant 0.000000e+00 : f32
    %max3A_18 = vector.broadcast %max3A : f32 to vector<512x512xf32>
    %max3A_19 = arith.maximumf %add3A_17, %max3A_18 : vector<512x512xf32>
    %get3A_20 = arith.constant 0 : index
    %get3A_21 = arith.constant 0 : index
    %get3A_22 = vector.load %arg7[%get3A_20, %get3A_21] : memref<512x256xf32, #tpu.memory_space<vmem>>, vector<512x256xf32>
    %dot_general3A_23 = arith.constant dense<0.000000e+00> : vector<512x256xf32>
    %dot_general3A_24 = tpu.matmul %max3A_19, %get3A_22, %dot_general3A_23 {dimension_numbers = #tpu.dot_dimension_numbers<[1], [0], [0], [1], [0, 0, 1, 1], [], []>, transpose_lhs_hint = false} : vector<512x512xf32>, vector<512x256xf32>, vector<512x256xf32> -> vector<512x256xf32>
    %get3A_25 = arith.constant 0 : index
    %get3A_26 = arith.constant 0 : index
    %get3A_27 = vector.load %arg8[%get3A_25, %get3A_26] : memref<1x256xf32, #tpu.memory_space<vmem>>, vector<1x256xf32>
    %add3A_28 = vector.broadcast %get3A_27 : vector<1x256xf32> to vector<512x256xf32>
    %add3A_29 = arith.addf %dot_general3A_24, %add3A_28 : vector<512x256xf32>
    %max3A_30 = arith.constant 0.000000e+00 : f32
    %max3A_31 = vector.broadcast %max3A_30 : f32 to vector<512x256xf32>
    %max3A_32 = arith.maximumf %add3A_29, %max3A_31 : vector<512x256xf32>
    %get3A_33 = arith.constant 0 : index
    %get3A_34 = arith.constant 0 : index
    %get3A_35 = vector.load %arg9[%get3A_33, %get3A_34] : memref<256x32xf32, #tpu.memory_space<vmem>>, vector<256x32xf32>
    %dot_general3A_36 = arith.constant dense<0.000000e+00> : vector<512x32xf32>
    %dot_general3A_37 = tpu.matmul %max3A_32, %get3A_35, %dot_general3A_36 {dimension_numbers = #tpu.dot_dimension_numbers<[1], [0], [0], [1], [0, 0, 1, 1], [], []>, transpose_lhs_hint = false} : vector<512x256xf32>, vector<256x32xf32>, vector<512x32xf32> -> vector<512x32xf32>
    %get3A_38 = arith.constant 0 : index
    %get3A_39 = arith.constant 0 : index
    %get3A_40 = vector.load %arg10[%get3A_38, %get3A_39] : memref<1x32xf32, #tpu.memory_space<vmem>>, vector<1x32xf32>
    %add3A_41 = vector.broadcast %get3A_40 : vector<1x32xf32> to vector<512x32xf32>
    %add3A_42 = arith.addf %dot_general3A_37, %add3A_41 : vector<512x32xf32>
    %get3A_43 = arith.constant 0 : index
    %get3A_44 = arith.constant 0 : index
    %get3A_45 = vector.load %arg11[%get3A_43, %get3A_44] : memref<32x512xf32, #tpu.memory_space<vmem>>, vector<32x512xf32>
    %dot_general3A_46 = arith.constant dense<0.000000e+00> : vector<512x512xf32>
    %dot_general3A_47 = tpu.matmul %add3A_42, %get3A_45, %dot_general3A_46 {dimension_numbers = #tpu.dot_dimension_numbers<[1], [0], [0], [1], [0, 0, 1, 1], [], []>, transpose_lhs_hint = false} : vector<512x32xf32>, vector<32x512xf32>, vector<512x512xf32> -> vector<512x512xf32>
    %get3A_48 = arith.constant 0 : index
    %get3A_49 = arith.constant 0 : index
    %get3A_50 = vector.load %arg2[%get3A_48, %get3A_49] : memref<512x832xf32, #tpu.memory_space<vmem>>, vector<512x832xf32>
    %get3A_51 = arith.constant 0 : index
    %get3A_52 = arith.constant 0 : index
    %get3A_53 = vector.load %arg12[%get3A_51, %get3A_52] : memref<832x512xf32, #tpu.memory_space<vmem>>, vector<832x512xf32>
    %dot_general3A_54 = arith.constant dense<0.000000e+00> : vector<512x512xf32>
    %dot_general3A_55 = tpu.matmul %get3A_50, %get3A_53, %dot_general3A_54 {dimension_numbers = #tpu.dot_dimension_numbers<[1], [0], [0], [1], [0, 0, 1, 1], [], []>, transpose_lhs_hint = false} : vector<512x832xf32>, vector<832x512xf32>, vector<512x512xf32> -> vector<512x512xf32>
    %add3A_56 = arith.addf %dot_general3A_47, %dot_general3A_55 : vector<512x512xf32>
    %get3A_57 = arith.constant 0 : index
    %get3A_58 = arith.constant 0 : index
    %get3A_59 = vector.load %arg13[%get3A_57, %get3A_58] : memref<1x512xf32, #tpu.memory_space<vmem>>, vector<1x512xf32>
    %add3A_60 = vector.broadcast %get3A_59 : vector<1x512xf32> to vector<512x512xf32>
    %add3A_61 = arith.addf %add3A_56, %add3A_60 : vector<512x512xf32>
    %max3A_62 = arith.constant 0.000000e+00 : f32
    %max3A_63 = vector.broadcast %max3A_62 : f32 to vector<512x512xf32>
    %max3A_64 = arith.maximumf %add3A_61, %max3A_63 : vector<512x512xf32>
    %get3A_65 = arith.constant 0 : index
    %get3A_66 = arith.constant 0 : index
    %get3A_67 = vector.load %arg14[%get3A_65, %get3A_66] : memref<512x256xf32, #tpu.memory_space<vmem>>, vector<512x256xf32>
    %dot_general3A_68 = arith.constant dense<0.000000e+00> : vector<512x256xf32>
    %dot_general3A_69 = tpu.matmul %max3A_64, %get3A_67, %dot_general3A_68 {dimension_numbers = #tpu.dot_dimension_numbers<[1], [0], [0], [1], [0, 0, 1, 1], [], []>, transpose_lhs_hint = false} : vector<512x512xf32>, vector<512x256xf32>, vector<512x256xf32> -> vector<512x256xf32>
    %get3A_70 = arith.constant 0 : index
    %get3A_71 = arith.constant 0 : index
    %get3A_72 = vector.load %arg15[%get3A_70, %get3A_71] : memref<1x256xf32, #tpu.memory_space<vmem>>, vector<1x256xf32>
    %add3A_73 = vector.broadcast %get3A_72 : vector<1x256xf32> to vector<512x256xf32>
    %add3A_74 = arith.addf %dot_general3A_69, %add3A_73 : vector<512x256xf32>
    %max3A_75 = arith.constant 0.000000e+00 : f32
    %max3A_76 = vector.broadcast %max3A_75 : f32 to vector<512x256xf32>
    %max3A_77 = arith.maximumf %add3A_74, %max3A_76 : vector<512x256xf32>
    %get3A_78 = arith.constant 0 : index
    %get3A_79 = arith.constant 0 : index
    %get3A_80 = vector.load %arg16[%get3A_78, %get3A_79] : memref<1x256xf32, #tpu.memory_space<vmem>>, vector<1x256xf32>
    %mul3A = vector.broadcast %get3A_80 : vector<1x256xf32> to vector<512x256xf32>
    %mul3A_81 = arith.mulf %max3A_77, %mul3A : vector<512x256xf32>
    %reduce_sum3A = arith.constant dense<0.000000e+00> : vector<512xf32>
    %reduce_sum3A_82 = vector.multi_reduction <add>, %mul3A_81, %reduce_sum3A [1] : vector<512x256xf32> to vector<512xf32>
    %get3A_83 = arith.constant 0 : index
    %get3A_84 = arith.constant 0 : index
    %get3A_85 = vector.load %arg17[%get3A_83, %get3A_84] : memref<1x1xf32, #tpu.memory_space<vmem>>, vector<1x1xf32>
    %get3A_86 = vector.extract %get3A_85[0, 0] : f32 from vector<1x1xf32>
    %add3A_87 = vector.broadcast %get3A_86 : f32 to vector<512xf32>
    %add3A_88 = arith.addf %reduce_sum3A_82, %add3A_87 : vector<512xf32>
    %logistic3A = arith.negf %add3A_88 : vector<512xf32>
    %logistic3A_89 = math.exp %logistic3A : vector<512xf32>
    %logistic3A_90 = arith.constant 1.000000e+00 : f32
    %logistic3A_91 = vector.broadcast %logistic3A_90 : f32 to vector<512xf32>
    %logistic3A_92 = arith.addf %logistic3A_91, %logistic3A_89 : vector<512xf32>
    %logistic3A_93 = arith.divf %logistic3A_91, %logistic3A_92 : vector<512xf32>
    %swap3A = arith.constant 0 : index
    %swap3A_94 = vector.load %arg18[%swap3A] : memref<512xf32, #tpu.memory_space<vmem>>, vector<512xf32>
    tpu.vector_store %arg18[%swap3A], %logistic3A_93 {strides = array<i32>} : memref<512xf32, #tpu.memory_space<vmem>>, vector<512xf32>,
    return
  }
  func.func @transform_0(%arg0: i32) -> (i32, i32) {
    %c0_i32 = arith.constant 0 : i32
    %c0_i32_0 = arith.constant 0 : i32
    return %arg0, %c0_i32 : i32, i32
  }
  func.func @transform_1(%arg0: i32) -> (i32, i32) {
    %c0_i32 = arith.constant 0 : i32
    %c0_i32_0 = arith.constant 0 : i32
    return %arg0, %c0_i32 : i32, i32
  }
  func.func @transform_2(%arg0: i32) -> (i32, i32) {
    %c0_i32 = arith.constant 0 : i32
    %c0_i32_0 = arith.constant 0 : i32
    %c0_i32_1 = arith.constant 0 : i32
    return %c0_i32, %c0_i32_0 : i32, i32
  }
  func.func @transform_3(%arg0: i32) -> (i32, i32) {
    %c0_i32 = arith.constant 0 : i32
    %c0_i32_0 = arith.constant 0 : i32
    %c0_i32_1 = arith.constant 0 : i32
    return %c0_i32, %c0_i32_0 : i32, i32
  }
  func.func @transform_4(%arg0: i32) -> (i32, i32) {
    %c0_i32 = arith.constant 0 : i32
    %c0_i32_0 = arith.constant 0 : i32
    %c0_i32_1 = arith.constant 0 : i32
    return %c0_i32, %c0_i32_0 : i32, i32
  }
  func.func @transform_5(%arg0: i32) -> (i32, i32) {
    %c0_i32 = arith.constant 0 : i32
    %c0_i32_0 = arith.constant 0 : i32
    %c0_i32_1 = arith.constant 0 : i32
    return %c0_i32, %c0_i32_0 : i32, i32
  }
  func.func @transform_6(%arg0: i32) -> (i32, i32) {
    %c0_i32 = arith.constant 0 : i32
    %c0_i32_0 = arith.constant 0 : i32
    %c0_i32_1 = arith.constant 0 : i32
    return %c0_i32, %c0_i32_0 : i32, i32
  }
  func.func @transform_7(%arg0: i32) -> (i32, i32) {
    %c0_i32 = arith.constant 0 : i32
    %c0_i32_0 = arith.constant 0 : i32
    %c0_i32_1 = arith.constant 0 : i32
    return %c0_i32, %c0_i32_0 : i32, i32
  }
  func.func @transform_8(%arg0: i32) -> (i32, i32) {
    %c0_i32 = arith.constant 0 : i32
    %c0_i32_0 = arith.constant 0 : i32
    %c0_i32_1 = arith.constant 0 : i32
    return %c0_i32, %c0_i32_0 : i32, i32
  }
  func.func @transform_9(%arg0: i32) -> (i32, i32) {
    %c0_i32 = arith.constant 0 : i32
    %c0_i32_0 = arith.constant 0 : i32
    %c0_i32_1 = arith.constant 0 : i32
    return %c0_i32, %c0_i32_0 : i32, i32
  }
  func.func @transform_10(%arg0: i32) -> (i32, i32) {
    %c0_i32 = arith.constant 0 : i32
    %c0_i32_0 = arith.constant 0 : i32
    %c0_i32_1 = arith.constant 0 : i32
    return %c0_i32, %c0_i32_0 : i32, i32
  }
  func.func @transform_11(%arg0: i32) -> (i32, i32) {
    %c0_i32 = arith.constant 0 : i32
    %c0_i32_0 = arith.constant 0 : i32
    %c0_i32_1 = arith.constant 0 : i32
    return %c0_i32, %c0_i32_0 : i32, i32
  }
  func.func @transform_12(%arg0: i32) -> (i32, i32) {
    %c0_i32 = arith.constant 0 : i32
    %c0_i32_0 = arith.constant 0 : i32
    %c0_i32_1 = arith.constant 0 : i32
    return %c0_i32, %c0_i32_0 : i32, i32
  }
  func.func @transform_13(%arg0: i32) -> (i32, i32) {
    %c0_i32 = arith.constant 0 : i32
    %c0_i32_0 = arith.constant 0 : i32
    %c0_i32_1 = arith.constant 0 : i32
    return %c0_i32, %c0_i32_0 : i32, i32
  }
  func.func @transform_14(%arg0: i32) -> (i32, i32) {
    %c0_i32 = arith.constant 0 : i32
    %c0_i32_0 = arith.constant 0 : i32
    %c0_i32_1 = arith.constant 0 : i32
    return %c0_i32, %c0_i32_0 : i32, i32
  }
  func.func @transform_15(%arg0: i32) -> (i32, i32) {
    %c0_i32 = arith.constant 0 : i32
    %c0_i32_0 = arith.constant 0 : i32
    %c0_i32_1 = arith.constant 0 : i32
    return %c0_i32, %c0_i32_0 : i32, i32
  }
  func.func @transform_16(%arg0: i32) -> (i32, i32) {
    %c0_i32 = arith.constant 0 : i32
    %c0_i32_0 = arith.constant 0 : i32
    %c0_i32_1 = arith.constant 0 : i32
    return %c0_i32, %c0_i32_0 : i32, i32
  }
  func.func @transform_17(%arg0: i32) -> i32 {
    %c0_i32 = arith.constant 0 : i32
    return %arg0 : i32
  }
}

</mosaic_0001>

<sc_bundles>
// kernel: kernel.4.cloned.1.call-start
scs
__scs_entry_jumppad:
0x0: {  	(pc) =	sbr.rel $0x88, $3  }
0x1: {  	(tag) =	ssettag $0x0;
	lr =	simm.s32 $0x1  }
0x2: {  	[smem:$0x3F90] =	sst lr;
	_ =	strace $0xD0000000  }
0x3: {  	_ = 	snop  }
0x4: {  	_ = 	snop  }
0x5: {  	_ = 	snop  }
0x6: {  	_ = 	snop  }
0x7: {  	_ = 	snop  }
__scs_overlays_trampoline_lowered:
0x8: {  	[smem:$0x3F9F] =	sst s0  }
0x9: {  	[smem:$0x3FA0] =	sst s1  }
0xa: {  	[smem:$0x3FA1] =	sst s2  }
0xb: {  	[smem:$0x3FA2] =	sst s3  }
0xc: {  	[smem:$0x3FA3] =	sst s4  }
0xd: {  	[smem:$0x3FA4] =	sst s5  }
0xe: {  	[smem:$0x3FA5] =	sst s6  }
0xf: {  	[smem:$0x3FA6] =	sst s7  }
0x10: {  	[smem:$0x3FA7] =	sst s8  }
0x11: {  	[smem:$0x3FA8] =	sst s9;
	s0 =	simm.s32 @!p0 $0x0  }
0x12: {  	s1 =	sld [smem:$0x3F8E];
	s0 =	simm.s32 @p0 $0x1  }
0x13: {  	[smem:$0x3FA9] =	sst s0;
	s0 =	simm.s32 @!p1 $0x0  }
0x14: {  	s2 =	sld [smem:$0x3F8D];
	s0 =	simm.s32 @p1 $0x1  }
0x15: {  	[smem:$0x3FAA] =	sst s0;
	s0 =	simm.s32 @!p2 $0x0  }
0x16: {  	s3 =	sld [smem:$0x3FDB];
	s0 =	simm.s32 @p2 $0x1  }
0x17: {  	s4 =	simm.s32 $0x1BF5;
	[smem:$0x3FAC] =	sst s0  }
0x18: {  	s0 =	sld [smem:$0x3F8F];
	_ =	swait.ge [sflag:s4], $0x0  }
0x19: {  	s7 =	sld [smem:$0x3F90]  }
0x1a: {  	s8 =	sadd.s32 $0xFFFFE003, lr  }
0x1b: {  	s9 =	sadd.s32 $0xFFFFFEF7, lr;
	s5 =	simm.s32 $0xFFFFFFFF;
	p2 =	slt.u32 s8, $0xFFFFF086  }
0x1c: {  	p1 =	slt.u32 s9, $0xF7A;
	s5 =	simm.s32 @!p2 $0x0  }
0x1d: {  	s5 =	simm.s32 @p1 $0x1;
	p0 =	seq.s32 s7, s2  }
0x1e: {  	s7 =	smul.u32 @!p0 $0xF7A, s2;
	p2 =	seq.s32 @!p0 s5, $0x0  }
0x1f: {  	s9 =	smul.u32 $0xF7A, s1;
	s8 =	simm.s32 @!p0 $0x1BF5;
	p2 =	por !p2, p0  }
0x20: {  	[sflag:s8] =	ssyncset.s32 @!p0 $0xFFFFF086;
	s6 =	sadd.s32 @!p0 s3, s7;
	s7 =	simm.s32 @!p0 $0x108  }
0x21: {  	s3 =	sadd.s32 s3, s9;
	s6 =	sadd.s32 @!p0 $0x88, s6;
	s7 =	simm.s32 @p2 $0x1082  }
0x22: {  	[simem:s7], [sflag:s8] =	dma.local @!p0 [hbm:s6], $0xF7A  }
0x23: {  	s9 =	sor.u32 $0xD0000000, s2;
	s6 =	simm.s32 $0x108;
	_ =	swait.ge @!p0 [sflag:s8], $0x0  }
0x24: {  	s3 =	sadd.s32 $0x88, s3;
	s6 =	simm.s32 @!p1 $0x1082;
	[sflag:s4] =	ssyncset.s32 $0xFFFFF086  }
0x25: {  	[simem:s6], [sflag:s4] =	dma.local [hbm:s3], $0xF7A  }
0x26: {  	[smem:$0x3F90] =	sst s1;
	(tag) =	ssettag s2;
	_ =	strace s9  }
0x27: {  	s1 =	sld [smem:$0x3FA0]  }
0x28: {  	s2 =	sld [smem:$0x3FA1]  }
0x29: {  	s4 =	sld [smem:$0x3FA3]  }
0x2a: {  	p0 =	seq.s32 s5, $0x0;
	s5 =	sld [smem:$0x3FA4]  }
0x2b: {  	s6 =	sld [smem:$0x3FA5]  }
0x2c: {  	s7 =	sld [smem:$0x3FA6]  }
0x2d: {  	s3 =	simm.s32 $0x108;
	s8 =	sld [smem:$0x3FA7]  }
0x2e: {  	s3 =	simm.s32 @!p0 $0x1082;
	s9 =	sld [smem:$0x3FA8]  }
0x2f: {  	lr =	sadd.s32 s0, s3;
	s0 =	sld [smem:$0x3F9F]  }
0x30: {  	s3 =	sld [smem:$0x3FA2]  }
0x31: {  	[smem:$0x3FAB] =	sst s10  }
0x32: {  	s10 =	sld [smem:$0x3FA9];
	_ =	sdelay $0x3  }
0x33: {  	p0 =	seq.s32 s10, $0x1;
	s10 =	sld [smem:$0x3FAB];
	_ =	sdelay $0x3  }
0x34: {  	[smem:$0x3FAB] =	sst s10  }
0x35: {  	s10 =	sld [smem:$0x3FAA];
	_ =	sdelay $0x3  }
0x36: {  	p1 =	seq.s32 s10, $0x1;
	s10 =	sld [smem:$0x3FAB];
	_ =	sdelay $0x3  }
0x37: {  	[smem:$0x3FAB] =	sst s10  }
0x38: {  	s10 =	sld [smem:$0x3FAC]  }
0x39: {  	_ = 	snop;
	(pc) =	sbr.ind lr, $3  }
0x3a: {  	_ = 	snop  }
0x3b: {  	_ = 	snop  }
0x3c: {  	p2 =	seq.s32 s10, $0x1;
	s10 =	sld [smem:$0x3FAB]  }
0x3d: {  	_ =	shalt  }
0x3e: {  	_ =	shalt  }
0x3f: {  	_ =	shalt  }
0x40: {  	_ =	shalt  }
0x41: {  	_ =	shalt  }
0x42: {  	_ =	shalt  }
0x43: {  	_ =	shalt  }
0x44: {  	_ =	shalt  }
0x45: {  	_ =	shalt  }
0x46: {  	_ =	shalt  }
0x47: {  	_ =	shalt  }
0x48: {  	_ =	shalt  }
0x49: {  	_ =	shalt  }
0x4a: {  	_ =	shalt  }
0x4b: {  	_ =	shalt  }
0x4c: {  	_ =	shalt  }
0x4d: {  	_ =	shalt  }
0x4e: {  	_ =	shalt  }
0x4f: {  	_ =	shalt  }
0x50: {  	_ =	shalt  }
0x51: {  	_ =	shalt  }
0x52: {  	_ =	shalt  }
0x53: {  	_ =	shalt  }
0x54: {  	_ =	shalt  }
0x55: {  	_ =	shalt  }
0x56: {  	_ =	shalt  }
0x57: {  	_ =	shalt  }
0x58: {  	_ =	shalt  }
0x59: {  	_ =	shalt  }
0x5a: {  	_ =	shalt  }
0x5b: {  	_ =	shalt  }
0x5c: {  	_ =	shalt  }
0x5d: {  	_ =	shalt  }
0x5e: {  	_ =	shalt  }
0x5f: {  	_ =	shalt  }
0x60: {  	_ =	shalt  }
0x61: {  	_ =	shalt  }
0x62: {  	_ =	shalt  }
0x63: {  	_ =	shalt  }
0x64: {  	_ =	shalt  }
0x65: {  	_ =	shalt  }
0x66: {  	_ =	shalt  }
0x67: {  	_ =	shalt  }
0x68: {  	_ =	shalt  }
0x69: {  	_ =	shalt  }
0x6a: {  	_ =	shalt  }
0x6b: {  	_ =	shalt  }
0x6c: {  	_ =	shalt  }
0x6d: {  	_ =	shalt  }
0x6e: {  	_ =	shalt  }
0x6f: {  	_ =	shalt  }
0x70: {  	_ =	shalt  }
0x71: {  	_ =	shalt  }
0x72: {  	_ =	shalt  }
0x73: {  	_ =	shalt  }
0x74: {  	_ =	shalt  }
0x75: {  	_ =	shalt  }
0x76: {  	_ =	shalt  }
0x77: {  	_ =	shalt  }
0x78: {  	_ =	shalt  }
0x79: {  	_ =	shalt  }
0x7a: {  	_ =	shalt  }
0x7b: {  	_ =	shalt  }
0x7c: {  	_ =	shalt  }
0x7d: {  	_ =	shalt  }
0x7e: {  	_ =	shalt  }
0x7f: {  	_ =	shalt  }
0x80: {  	_ =	shalt  }
0x81: {  	_ =	shalt  }
0x82: {  	_ =	shalt  }
0x83: {  	_ =	shalt  }
0x84: {  	_ =	shalt  }
0x85: {  	_ =	shalt  }
0x86: {  	_ =	shalt  }
0x87: {  	_ =	shalt  }
.Lfunc_end0:
.L_simem_size_0:
called_computation_lowered:
.L_overlay_start_0:
0x88: {  	s2 =	sld [smem:$0x3FD9]  }
0x89: {  	s3 =	sld [smem:$0x3FFE];
	_ =	sdelay $0x1  }
0x8a: {  	s1 =	srdreg.scid  }
0x8b: {  	s0 =	sand.u32 $0x1, s1  }
0x8c: {  	s16 =	sshll.u32 s0, $0xA;
	s2 =	sadd.s32 s3, s2  }
0x8d: {  	s2 =	sadd.s32 s2, s16  }
0x8e: {  	[smem:$0x3FB7] =	sst s2  }
0x8f: {  	_ = 	snop  }
0x90: {  	(tm) =	ssettm $0x1  }
0x91: {  	s17 =	sld [smem:$0x3FFB];
	_ =	sdelay $0x3  }
0x92: {  	_ =	strace s17  }
0x93: {  	s2 =	sld [smem:$0x3FFC];
	_ =	sdelay $0x3  }
0x94: {  	_ =	strace s2  }
0x95: {  	s2 =	sld [smem:$0x3FFD];
	_ =	sdelay $0x3  }
0x96: {  	_ =	strace s2  }
0x97: {  	_ =	strace $0x8FFFFFFF  }
0x98: {  	s18 =	sld [smem:$0x3FDB];
	_ =	sdelay $0x1  }
0x99: {  	s19 =	simm.s32 $_scs_section_size  }
0x9a: {  	s4 =	simm.s32 $_size__tile_overlayer_lowered;
	s5 =	simm.s32 $_tile_overlayer_lowered  }
0x9b: {  	s22 =	simm.s32 $0x1BFF;
	s21 =	sshll.u32 s5, $0x1;
	s2 =	sadd.s32 s19, s18  }
0x9c: {  	s6 =	simm.s32 $0x0;
	s20 =	sshll.u32 s4, $0x1;
	s4 =	sadd.s32 s21, s2  }
0x9d: {  	[timem:s6], [sflag:s22] =	dma.local [hbm:s4], s20  }
0x9e: {  	_ =	swait.ge [sflag:s22], s20  }
0x9f: {  	s3 =	ssub.s32 $0x0, s20;
	[sflag:s22] =	ssyncset.done $0x0  }
0xa0: {  	[sflag:s22] =	ssyncadd.s32 s3;
	_ =	sdelay $0x1  }
0xa1: {  	s23 =	simm.s32 $0x1B8B  }
0xa2: {  	_ =	swait.ge [sflag:s23], $0x1  }
0xa3: {  	[sflag:s23] =	ssyncset.done $0x0  }
0xa4: {  	s25 =	simm.s32 $0x1B8E;
	s24 =	sld [smem:$0x3FFE];
	[sflag:s23] =	ssyncadd.s32 $0xFFFFFFFF  }
0xa5: {  	s26 =	simm.s32 $execute0_lowered;
	[smem:$0x3FD2] =	sst s25  }
0xa6: {  	s4 =	sshll.u32 s26, $0x1;
	_ =	strace $0x80000046;
	[dreg:$0x1] =	wrdreg $0xFFFFFFFF  }
0xa7: {  	s28 =	simm.s32 $_size_execute0_lowered;
	s2 =	sadd.s32 s2, s4;
	[dreg:$0x0] =	wrdreg $0x0  }
0xa8: {  	s4 =	sshll.u32 s28, $0x1;
	[dreg:$0x2] =	wrdreg s2  }
0xa9: {  	[dreg:$0x3] =	wrdreg s4  }
0xaa: {  	[dreg:$0x4] =	wrdreg $0xC0  }
0xab: {  	_ =	task [dreg:s6], $0x5FFFF  }
0xac: {  	[dreg:$0x1] =	wrdreg $0xFFFFFFFF  }
0xad: {  	[dreg:$0x0] =	wrdreg $0x60  }
0xae: {  	[dreg:$0x2] =	wrdreg s24  }
0xaf: {  	[dreg:$0x3] =	wrdreg $0x9  }
0xb0: {  	_ =	task.clear_ibuf [dreg:s6], $0x4FFFF;
	_ =	strace $0x90000046  }
0xb1: {  	s29 =	simm.s32 $0x9;
	_ =	strace $0x80000048  }
0xb2: {  	_ =	swait.ge [sflag:s29], $0x1  }
0xb3: {  	[sflag:s29] =	ssyncadd.s32 $0xFFFFFFFF  }
0xb4: {  	_ =	strace $0x90000048  }
0xb5: {  	_ =	sfence  }
0xb6: {  	s30 =	sld [smem:$0x0];
	_ =	sdelay $0x2  }
0xb7: {  	s31 =	sshll.u32 s1, $0xD;
	s1 =	sshrl.u32 s1, $0x2  }
0xb8: {  	s3 =	sand.u32 $0x4000, s31;
	s1 =	sadd.s32 s1, s30  }
0xb9: {  	s0 =	sor.u32 s3, s0;
	s1 =	sshll.u32 s1, $0x11  }
0xba: {  	s0 =	sor.u32 s1, s0  }
0xbb: {  	s0 =	sadd.s32 $0x8F2B, s0  }
0xbc: {  	[sflag:s0] =	ssyncadd.remote.s32 $0x1  }
0xbd: {  	_ =	sfence.sel $0xFFFF  }
0xbe: {  	[dreg:$0x0] =	wrdreg $0xFFFFFFFF;
	(pc) =	sbr.abs _section_cstart, $3  }
0xbf: {  	[dreg:$0x1] =	wrdreg $0xFFFFFFFF  }
0xc0: {  	_ =	task.clear_ibuf [dreg:s6], $0x2FFFF;
	_ =	strace $0x9FFFFFFF  }
0xc1: {  	(tm) =	ssettm $0x7FFFFFFF  }
tec
execute0_lowered:
.L_overlay_start_1:
0x0: {  	(tag) =	ssettag $0x1  }
0x1: {  	s0 =	rddreg [dreg:$0x0]  }
0x2: {  	s1 =	srdreg.scid;
	s3 =	stileid.u32  }
0x3: {  	s8 =	simm.s32 $0x0;
	s1 =	sand.u32 $0x1, s1;
	s2 =	sshll.u32 s3, $0x1  }
0x4: {  	[smem:$0x7FF] =	sst s8;
	s5 =	sadd.s32 $0x27AE600, s0;
	s6 =	smul.u32 $0x1A00, s3  }
0x5: {  	s2 =	sor.u32 s1, s2;
	s26 =	ssub.s32 $0x2, s1;
	s1 =	smul.u32 $0xD00, s1  }
0x6: {  	v1 =	vimm.s32 $0xECA86420;
	v0 =	vlaneseq.u32;
	_ =	strace $0x80000047;
	s4 =	smul.u32 $0xD00, s2  }
0x7: {  	vm0 =	vcmask $0xB08;
	vm1 =	vcmask $0x1310;
	vm2 =	vcmask $0x1B18;
	[dreg:$0x9] =	wrdreg s5;
	s2 =	smul.u32 $0x3400, s2;
	s7 =	sshrl.u32 s26, $0x1  }
0x8: {  	vm4 =	vcmask $0x2320;
	vm5 =	vcmask $0x2B28;
	vm6 =	vcmask $0x3330;
	s28 =	ssub.s32 s26, s7;
	s31 =	sadd.s32 s1, s6;
	s4 =	sshrl.u32 s4, $0x3  }
0x9: {  	vm7 =	vcmask $0x3B38;
	vm8 =	vmmov $0xff;
	vm10 =	vcmask $0x704;
	s30 =	smax.u32 s28, $0x1;
	[dreg:$0x2] =	wrdreg s31;
	s4 =	sadd.s32 s4, s0  }
0xa: {  	vm11 =	vcmask $0xF0C;
	vm13 =	vcmask $0x1F1C;
	v1 =	vunpack.c.l.s4.s8 v1;
	s0 =	sadd.s32 s2, s0;
	[dreg:$0xc] =	wrdreg s30;
	s29 =	sadd.s32 $0x2200, s4  }
0xb: {  	vm14 =	vcmask $0x2724;
	vm15 =	vcmask $0x2F2C;
	vm3 =	vcmask $0x3734;
	s0 =	sadd.s32 $0x5600, s0;
	[dreg:$0xa] =	wrdreg s29  }
0xc: {  	vm12 =	vcmask $0x300;
	v2 =	vmul.u32 $0x2, v0;
	v1 =	vunpack.c.0.s8.s32 v1;
	s1 =	simm.s32 $0x2;
	s2 =	simm.s32 $0x0;
	[dreg:$0xb] =	wrdreg s0  }
.LBB2_1:
0xd: {  	[dreg:$0xd] =	wrdreg s2  }
0xe: {  	s0 =	rddreg [dreg:$0xa]  }
0xf: {  	[tilespmem:s8], [sflag:$0x2] =	stream.linear.gather [hbm4b:s0+s8], $0xD00, $0x38;
	[tilespmem:$0x1BA00] =	vst v63  }
0x10: {  	_ =	swait.ge [sflag:s1], $0xD00  }
0x11: {  	[sflag:s1] =	ssyncset.done $0x0  }
0x12: {  	[sflag:s1] =	ssyncadd.s32 $0xFFFFF300;
	s1 =	simm.s32 $0x0  }
0x13: {  	v3 =	vld [tilespmem:s1+$0x0];
	_ =	sdelay $0x4  }
0x14: {  	v3 =	vadd.s32 $0x1, v3  }
0x15: {  	(v2sf) =	vpush v3, $0x0  }
0x16: {  	(v2sf) =	vpush v3, $0x7;
	_ =	sdelay $0x2  }
0x17: {  	(v2sf) =	vpush v3, $0x1  }
0x18: {  	(v2sf) =	vpush v3, $0x2;
	_ =	sdelay $0x1  }
0x19: {  	(v2sf) =	vpush v3, $0x9;
	_ =	sdelay $0x2  }
0x1a: {  	(v2sf) =	vpush v3, $0x3;
	_ =	sdelay $0x1  }
0x1b: {  	(v2sf) =	vpush v3, $0x4  }
0x1c: {  	(v2sf) =	vpush v3, $0xC  }
0x1d: {  	(v2sf) =	vpush v3, $0x8  }
0x1e: {  	(v2sf) =	vpush v3, $0xF;
	s2 =	spop (v2sf)  }
0x1f: {  	(v2sf) =	vpush v3, $0xA;
	s3 =	spop (v2sf);
	s29 =	smulhi.u32 $0x14F8B589, s2  }
0x20: {  	(v2sf) =	vpush v3, $0xD;
	s0 =	sshra.s32 s2, $0x1F;
	s1 =	smulhi.u32 $0x14F8B589, s3  }
0x21: {  	(v2sf) =	vpush v3, $0xB;
	s5 =	sshra.s32 s3, $0x1F;
	s0 =	smul.u32 $0x14F8B589, s0  }
0x22: {  	s4 =	spop (v2sf);
	s5 =	smul.u32 $0x14F8B589, s5  }
0x23: {  	s6 =	spop (v2sf);
	s13 =	smulhi.u32 $0x14F8B589, s4  }
0x24: {  	s4 =	sshra.s32 s4, $0x1F;
	s17 =	smulhi.u32 $0x14F8B589, s6  }
0x25: {  	s9 =	spop (v2sf);
	s4 =	smul.u32 $0x14F8B589, s4  }
0x26: {  	s6 =	sshra.s32 s6, $0x1F;
	s10 =	smulhi.u32 $0x14F8B589, s9  }
0x27: {  	s9 =	sshra.s32 s9, $0x1F;
	s6 =	smul.u32 $0x14F8B589, s6  }
0x28: {  	s3 =	simm.s32 $0x40;
	s11 =	spop (v2sf);
	s9 =	smul.u32 $0x14F8B589, s9  }
0x29: {  	s0 =	sadd.s32 s0, s29;
	s23 =	sshra.s32 s11, $0x1F;
	s11 =	smulhi.u32 $0x14F8B589, s11  }
0x2a: {  	(v2sf) =	vpush v3, $0xE;
	s19 =	sadd.s32 s5, s1;
	s12 =	spop (v2sf);
	s15 =	smul.u32 $0x14F8B589, s23  }
0x2b: {  	(v2sf) =	vpush v3, $0x5;
	s14 =	sshra.s32 s12, $0x1F;
	s18 =	spop (v2sf);
	s29 =	smulhi.u32 $0x14F8B589, s12  }
0x2c: {  	s26 =	sshra.s32 s19, $0x1F;
	s14 =	smul.u32 $0x14F8B589, s14;
	s21 =	spop (v2sf)  }
0x2d: {  	s2 =	sadd.s32 s4, s13;
	s16 =	smulhi.u32 $0x14F8B589, s18;
	s20 =	spop (v2sf)  }
0x2e: {  	s22 =	smulhi.u32 $0x14F8B589, s20;
	s20 =	sshra.s32 s20, $0x1F;
	s5 =	spop (v2sf)  }
0x2f: {  	s23 =	sadd.s32 s6, s17;
	s24 =	smul.u32 $0x14F8B589, s20;
	s28 =	spop (v2sf)  }
0x30: {  	s20 =	sshra.s32 s21, $0x1F;
	s25 =	smulhi.u32 $0x14F8B589, s5;
	s7 =	spop (v2sf);
	(v2sf) =	vpush v3, $0x6  }
0x31: {  	v4 =	vmov s26;
	s26 =	simm.s32 $0x10;
	s1 =	sshra.s32 s5, $0x1F;
	s4 =	smul.u32 $0x14F8B589, s20  }
0x32: {  	s18 =	sshra.s32 s18, $0x1F;
	s9 =	sadd.s32 s9, s10;
	s1 =	smul.u32 $0x14F8B589, s1  }
0x33: {  	s10 =	sshra.s32 s2, $0x1F;
	s30 =	sadd.s32 s14, s29;
	s12 =	smulhi.u32 $0x14F8B589, s28  }
0x34: {  	s20 =	sadd.s32 s24, s22;
	s24 =	sadd.s32 s15, s11;
	s11 =	smul.u32 $0x14F8B589, s18  }
0x35: {  	s29 =	sshra.s32 s2, $0xD;
	s5 =	sshra.s32 s28, $0x1F;
	s15 =	smulhi.u32 $0x14F8B589, s21  }
0x36: {  	s5 =	smul.u32 $0x14F8B589, s5;
	s18 =	sadd.s32 s1, s25;
	s25 =	sshra.s32 s23, $0x1F  }
0x37: {  	s21 =	sshra.s32 s24, $0x1F;
	s28 =	sshra.s32 s24, $0xD;
	s1 =	sshrl.u32 s9, $0x1F  }
0x38: {  	s4 =	sadd.s32 s4, s15;
	s15 =	sshra.s32 s23, $0xD;
	s14 =	sadd.s32 s11, s16  }
0x39: {  	s11 =	sadd.s32 s5, s12;
	s16 =	sshra.s32 s0, $0xD;
	s8 =	spop (v2sf)  }
0x3a: {  	vm9 =	vcmask $0x300;
	s12 =	sshrl.u32 s0, $0x1F;
	s0 =	sshra.s32 s0, $0x1F;
	s13 =	spop (v2sf)  }
0x3b: {  	s17 =	sshra.s32 s7, $0x1F;
	v4 =	vsel vm9, s16, v4;
	s16 =	sshrl.u32 s4, $0x1F;
	s22 =	smulhi.u32 $0x14F8B589, s13  }
0x3c: {  	s6 =	sshra.s32 s8, $0x1F;
	s31 =	sshra.s32 s13, $0x1F;
	s13 =	smulhi.u32 $0x14F8B589, s8  }
0x3d: {  	v4 =	vsel vm10, s0, v4;
	s0 =	sshra.s32 s18, $0xD;
	v7 =	vmov s16;
	s16 =	simm.s32 $0x0;
	s5 =	smul.u32 $0x14F8B589, s6  }
0x3e: {  	s8 =	sshra.s32 s9, $0xD;
	s6 =	sshra.s32 s4, $0xD;
	s4 =	smul.u32 $0x14F8B589, s17;
	v5 =	vsel vm0, s29, v4  }
0x3f: {  	v4 =	vmov s12;
	s12 =	sshrl.u32 s2, $0x1F;
	v6 =	vmov s6;
	v8 =	vsel vm11, s10, v5;
	s10 =	sshrl.u32 s18, $0x1F;
	s9 =	spop (v2sf)  }
0x40: {  	s6 =	smulhi.u32 $0x14F8B589, s7;
	v5 =	vsel vm0, s8, v6;
	v6 =	vsel vm1, s15, v8;
	s15 =	simm.s32 $0x0;
	s2 =	sshra.s32 s9, $0x1F  }
.LBB2_2:
0x41: {  	s7 =	sshrl.u32 s14, $0x1F;
	v7 =	vsel vm0, s1, v7;
	s8 =	sshra.s32 s14, $0xD;
	s9 =	smulhi.u32 $0x14F8B589, s9  }
0x42: {  	s14 =	sshrl.u32 s11, $0x1F;
	v4 =	vnsel vm12, $0x0, v4;
	s18 =	sshra.s32 s11, $0xD;
	s11 =	smul.u32 $0x14F8B589, s31;
	v5 =	vsel vm1, s0, v5;
	vm9 =	vcmask $0x1714  }
0x43: {  	s29 =	sshrl.u32 s20, $0x1F;
	s2 =	smul.u32 $0x14F8B589, s2;
	v8 =	vmov s7;
	v9 =	vmov s8;
	v7 =	vsel vm1, s10, v7  }
0x44: {  	s5 =	sadd.s32 s5, s13;
	s4 =	sadd.s32 s4, s6;
	s10 =	sshrl.u32 s23, $0x1F;
	v4 =	vsel vm0, s12, v4;
	v6 =	vsel vm9, s25, v6;
	v8 =	vsel vm0, s14, v8  }
0x45: {  	s12 =	sshra.s32 s20, $0xD;
	s17 =	sshrl.u32 s5, $0x1F;
	s6 =	sshrl.u32 s4, $0x1F;
	v9 =	vsel vm0, s18, v9;
	v4 =	vsel vm1, s10, v4;
	v6 =	vsel vm2, s28, v6  }
0x46: {  	s20 =	sshra.s32 s30, $0xD;
	s5 =	sshra.s32 s5, $0xD;
	s13 =	sshra.s32 s4, $0xD;
	v8 =	vsel vm1, s17, v8;
	v7 =	vsel vm2, s6, v7;
	v6 =	vsel vm13, s21, v6  }
0x47: {  	s23 =	sshra.s32 s30, $0x1F;
	s14 =	sshrl.u32 s24, $0x1F;
	s18 =	sadd.s32 s11, s22;
	v9 =	vsel vm1, s5, v9;
	v5 =	vsel vm2, s13, v5;
	v6 =	vsel vm4, s20, v6  }
0x48: {  	s1 =	smov.u32 s3;
	v4 =	vsel vm2, s14, v4;
	s17 =	sshrl.u32 s30, $0x1F;
	v8 =	vsel vm2, s29, v8;
	s29 =	sshra.s32 s18, $0xD;
	v6 =	vsel vm14, s23, v6  }
0x49: {  	s2 =	sadd.s32 s2, s9;
	s22 =	sshrl.u32 s18, $0x1F;
	s4 =	sshra.s32 s18, $0x1F;
	v9 =	vsel vm2, s12, v9;
	v4 =	vsel vm4, s17, v4;
	v6 =	vsel vm5, s29, v6  }
0x4a: {  	p0 =	sne.s32 s3, $0x33C0;
	s25 =	sshrl.u32 s2, $0x1F;
	s6 =	sshra.s32 s2, $0xD;
	v7 =	vcombine.low v7, v8;
	v4 =	vsel vm5, s22, v4;
	v6 =	vsel vm15, s4, v6  }
0x4b: {  	s24 =	sadd.s32 $0x40, s3;
	s3 =	sshrl.u32 s19, $0x1F;
	s2 =	sshra.s32 s2, $0x1F;
	v5 =	vcombine.low v5, v9;
	v4 =	vsel vm6, s25, v4;
	v6 =	vsel vm6, s6, v6  }
0x4c: {  	s7 =	rddreg [dreg:$0x2];
	s8 =	sshra.s32 s19, $0xD;
	v4 =	vsel vm7, s3, v4;
	v6 =	vsel vm3, s2, v6  }
0x4d: {  	s9 =	sadd.s32 s15, s7;
	v5 =	vperm.xlane v5, v1;
	v7 =	vperm.xlane v7, v1;
	v6 =	vsel vm7, s8, v6  }
0x4e: {  	v8 =	vor.u32 s9, v0;
	v4 =	vperm.xlane v4, v2;
	v6 =	vperm.xlane v6, v2  }
0x4f: {  	v63 =	vmulhi.u32 $0x4EC4EC4F, v8  }
0x50: {  	v4 =	vsel vm8, v4, v7;
	v5 =	vsel vm8, v6, v5  }
0x51: {  	v6 =	vshrl.u32 v63, $0x3;
	v4 =	vadd.s32 v4, v5  }
0x52: {  	v5 =	vmul.u32 $0x1A, v6;
	v4 =	vmul.u32 $0x186A0, v4;
	_ =	sdelay $0x1  }
0x53: {  	v5 =	vsub.s32 v8, v5;
	v3 =	vsub.s32 v3, v4  }
0x54: {  	s10 =	sand.u32 $0x3E00, s16;
	v4 =	vmul.u32 $0x186A0, v5;
	vm9 =	vlt.s32 v3, $0x0;
	v5 =	vadd.s32 $0x186A0, v3  }
0x55: {  	s0 =	sshrl.u32 s10, $0x2;
	s12 =	sand.u32 $0x70, s15;
	v3 =	vsel vm9, v5, v3  }
0x56: {  	s11 =	smov.u32 s1;
	s0 =	sor.u32 s12, s0;
	v3 =	vadd.s32 v4, v3  }
0x57: {  	s14 =	sshra.s32 s11, $0x2;
	[tilespmem:s0+$0xD00] =	vst v3  }
0x58: {  	v3 =	vld [tilespmem:s14+$0x0];
	_ =	sdelay $0x4  }
0x59: {  	v3 =	vadd.s32 $0x1, v3  }
0x5a: {  	(v2sf) =	vpush v3, $0x0  }
0x5b: {  	(v2sf) =	vpush v3, $0x7;
	_ =	sdelay $0x1  }
0x5c: {  	(v2sf) =	vpush v3, $0x1  }
0x5d: {  	(v2sf) =	vpush v3, $0x2;
	_ =	sdelay $0x1  }
0x5e: {  	(v2sf) =	vpush v3, $0x9;
	_ =	sdelay $0x1  }
0x5f: {  	(v2sf) =	vpush v3, $0x3;
	_ =	sdelay $0x1  }
0x60: {  	(v2sf) =	vpush v3, $0x4  }
0x61: {  	(v2sf) =	vpush v3, $0xC;
	_ =	sdelay $0x1  }
0x62: {  	(v2sf) =	vpush v3, $0x8  }
0x63: {  	(v2sf) =	vpush v3, $0xF  }
0x64: {  	s15 =	spop (v2sf)  }
0x65: {  	s19 =	smulhi.u32 $0x14F8B589, s15;
	s16 =	spop (v2sf)  }
0x66: {  	[dreg:$0x3] =	wrdreg s24;
	(v2sf) =	vpush v3, $0xA;
	s17 =	sshra.s32 s16, $0x1F;
	s2 =	smulhi.u32 $0x14F8B589, s16  }
0x67: {  	(v2sf) =	vpush v3, $0xD;
	s18 =	spop (v2sf);
	s24 =	smul.u32 $0x14F8B589, s17  }
0x68: {  	(v2sf) =	vpush v3, $0xB;
	s22 =	spop (v2sf);
	s4 =	smulhi.u32 $0x14F8B589, s18  }
0x69: {  	[dreg:$0x5] =	wrdreg s11;
	s20 =	sshra.s32 s18, $0x1F;
	s8 =	smulhi.u32 $0x14F8B589, s22  }
0x6a: {  	s13 =	smov.u32 s26;
	s25 =	spop (v2sf);
	s5 =	smul.u32 $0x14F8B589, s20  }
0x6b: {  	[dreg:$0x4] =	wrdreg s13;
	(v2sf) =	vpush v3, $0xE;
	s23 =	sshra.s32 s22, $0x1F;
	s29 =	smulhi.u32 $0x14F8B589, s25  }
0x6c: {  	s1 =	sshra.s32 s25, $0x1F;
	s10 =	spop (v2sf);
	s18 =	smul.u32 $0x14F8B589, s23  }
0x6d: {  	s9 =	sshra.s32 s15, $0x1F;
	s14 =	smul.u32 $0x14F8B589, s1;
	s0 =	sshra.s32 s10, $0x1F  }
0x6e: {  	s1 =	spop (v2sf);
	s12 =	sadd.s32 s5, s4;
	s25 =	smul.u32 $0x14F8B589, s0  }
0x6f: {  	s3 =	sshra.s32 s1, $0x1F;
	s21 =	spop (v2sf);
	s0 =	smul.u32 $0x14F8B589, s9  }
0x70: {  	[dreg:$0x6] =	wrdreg s29;
	s30 =	smul.u32 $0x14F8B589, s3;
	s28 =	sshra.s32 s21, $0x1F  }
0x71: {  	s29 =	sadd.s32 s24, s2;
	s15 =	spop (v2sf);
	s7 =	smul.u32 $0x14F8B589, s28  }
0x72: {  	s16 =	sshra.s32 s15, $0x1F;
	s3 =	spop (v2sf);
	s15 =	smulhi.u32 $0x14F8B589, s15  }
0x73: {  	s23 =	sadd.s32 s18, s8;
	s6 =	sshra.s32 s29, $0x1F;
	s11 =	smulhi.u32 $0x14F8B589, s3  }
0x74: {  	s8 =	sshra.s32 s23, $0x1F;
	v4 =	vmov s6;
	s17 =	sshra.s32 s3, $0x1F;
	s6 =	smul.u32 $0x14F8B589, s16  }
0x75: {  	s20 =	spop (v2sf);
	s16 =	sshra.s32 s23, $0xD;
	s24 =	smul.u32 $0x14F8B589, s17  }
0x76: {  	(v2sf) =	vpush v3, $0x5;
	s3 =	spop (v2sf);
	s17 =	smulhi.u32 $0x14F8B589, s10;
	s22 =	sshra.s32 s20, $0x1F  }
0x77: {  	s5 =	smulhi.u32 $0x14F8B589, s20;
	s2 =	spop (v2sf);
	s18 =	sshra.s32 s3, $0x1F  }
0x78: {  	s4 =	smul.u32 $0x14F8B589, s22;
	s22 =	sadd.s32 $0x10, s26;
	s26 =	sadd.s32 s0, s19  }
0x79: {  	(v2sf) =	vpush v3, $0x6;
	s19 =	sshra.s32 s12, $0xD;
	s6 =	sadd.s32 s6, s15;
	s3 =	smulhi.u32 $0x14F8B589, s3  }
0x7a: {  	s13 =	sadd.s32 s24, s11;
	s10 =	spop (v2sf);
	s11 =	smulhi.u32 $0x14F8B589, s21  }
0x7b: {  	s20 =	sshra.s32 s2, $0x1F;
	s24 =	sadd.s32 s25, s17;
	s18 =	smul.u32 $0x14F8B589, s18  }
0x7c: {  	[dreg:$0x7] =	wrdreg s13;
	s21 =	sshra.s32 s10, $0x1F;
	s28 =	sshra.s32 s24, $0xD  }
0x7d: {  	s13 =	smulhi.u32 $0x14F8B589, s10;
	s4 =	sadd.s32 s4, s5;
	s10 =	rddreg [dreg:$0x6]  }
0x7e: {  	s5 =	sshra.s32 s26, $0xD;
	[dreg:$0x8] =	wrdreg s21;
	s21 =	sshra.s32 s24, $0x1F  }
0x7f: {  	s10 =	sadd.s32 s14, s10;
	s14 =	sshrl.u32 s26, $0x1F;
	s0 =	sshra.s32 s4, $0xD  }
0x80: {  	v5 =	vsel vm12, s5, v4;
	s5 =	smulhi.u32 $0x14F8B589, s1;
	s15 =	sshra.s32 s10, $0xD;
	s1 =	sshrl.u32 s10, $0x1F  }
0x81: {  	v4 =	vmov s14;
	s14 =	sshra.s32 s26, $0x1F;
	s26 =	sshrl.u32 s6, $0x1F;
	s6 =	sshra.s32 s6, $0xD  }
0x82: {  	s10 =	sshrl.u32 s4, $0x1F;
	s4 =	smul.u32 $0x14F8B589, s20;
	s20 =	rddreg [dreg:$0x7]  }
0x83: {  	v5 =	vsel vm10, s14, v5;
	s14 =	sadd.s32 s7, s11;
	s11 =	rddreg [dreg:$0x8];
	v6 =	vmov s6;
	s6 =	smulhi.u32 $0x14F8B589, s2  }
0x84: {  	s30 =	sadd.s32 s30, s5;
	v7 =	vmov s26;
	s26 =	smov.u32 s22;
	s5 =	smul.u32 $0x14F8B589, s11  }
.Ltmp0:
0x85: {  	s25 =	spop (v2sf);
	v5 =	vsel vm0, s19, v5;
	s19 =	smov.u32 s29;
	(pc) =	sbr.rel @p0 .LBB2_2-.Ltmp0, $4  }
0x86: {  	s11 =	sadd.s32 s18, s3;
	s3 =	rddreg [dreg:$0x3];
	s17 =	smulhi.u32 $0x14F8B589, s25  }
0x87: {  	s31 =	sshra.s32 s25, $0x1F;
	s25 =	sshra.s32 s12, $0x1F;
	s12 =	sshrl.u32 s12, $0x1F  }
0x88: {  	v8 =	vsel vm11, s25, v5;
	s25 =	smov.u32 s8;
	v5 =	vsel vm0, s15, v6;
	s15 =	rddreg [dreg:$0x4];
	s9 =	spop (v2sf)  }
0x89: {  	s22 =	smov.u32 s17;
	v6 =	vsel vm1, s16, v8;
	s16 =	rddreg [dreg:$0x5];
	s2 =	sshra.s32 s9, $0x1F  }
0x8a: {  	s3 =	sadd.s32 s5, s13;
	s29 =	sshrl.u32 s14, $0x1F;
	v7 =	vsel vm0, s1, v7  }
0x8b: {  	s7 =	sshra.s32 s14, $0xD;
	s8 =	smulhi.u32 $0x14F8B589, s9;
	s13 =	sadd.s32 s4, s6;
	vm9 =	vcmask $0x1714;
	v5 =	vsel vm1, s0, v5;
	v8 =	vmov s29  }
0x8c: {  	s14 =	sshrl.u32 s11, $0x1F;
	s17 =	smul.u32 $0x14F8B589, s31;
	v9 =	vmov s7;
	v7 =	vsel vm1, s10, v7;
	s6 =	sshrl.u32 s13, $0x1F;
	v6 =	vsel vm9, s25, v6  }
0x8d: {  	s2 =	smul.u32 $0x14F8B589, s2;
	s26 =	sshra.s32 s11, $0xD;
	vm9 =	vcmask $0x300;
	v8 =	vsel vm0, s14, v8;
	v7 =	vsel vm2, s6, v7  }
0x8e: {  	s5 =	sshrl.u32 s23, $0x1F;
	s18 =	sshrl.u32 s3, $0x1F;
	s7 =	sshra.s32 s13, $0xD;
	v9 =	vsel vm0, s26, v9;
	v6 =	vsel vm2, s28, v6;
	v4 =	vnsel vm9, $0x0, v4  }
0x8f: {  	s9 =	sshra.s32 s30, $0x1F;
	s31 =	sshra.s32 s3, $0xD;
	s6 =	sshra.s32 s30, $0xD;
	v5 =	vsel vm2, s7, v5;
	v8 =	vsel vm1, s18, v8;
	v6 =	vsel vm13, s21, v6  }
0x90: {  	s10 =	sshra.s32 s20, $0xD;
	s13 =	sshrl.u32 s20, $0x1F;
	s29 =	sadd.s32 s17, s22;
	v4 =	vsel vm0, s12, v4;
	v9 =	vsel vm1, s31, v9;
	v6 =	vsel vm4, s6, v6  }
0x91: {  	s2 =	sadd.s32 s2, s8;
	s8 =	sshrl.u32 s24, $0x1F;
	s12 =	sshra.s32 s29, $0xD;
	v4 =	vsel vm1, s5, v4;
	v9 =	vsel vm2, s10, v9;
	v6 =	vsel vm14, s9, v6  }
0x92: {  	s11 =	sshrl.u32 s30, $0x1F;
	s17 =	sshra.s32 s29, $0x1F;
	v8 =	vsel vm2, s13, v8;
	v4 =	vsel vm2, s8, v4;
	v6 =	vsel vm5, s12, v6  }
0x93: {  	s14 =	sshrl.u32 s29, $0x1F;
	s20 =	sshra.s32 s2, $0xD;
	v5 =	vcombine.low v5, v9;
	v4 =	vsel vm4, s11, v4;
	v6 =	vsel vm15, s17, v6  }
0x94: {  	s18 =	sshrl.u32 s2, $0x1F;
	s23 =	sshra.s32 s2, $0x1F;
	v7 =	vcombine.low v7, v8;
	v4 =	vsel vm5, s14, v4;
	v6 =	vsel vm6, s20, v6  }
0x95: {  	s22 =	sshrl.u32 s19, $0x1F;
	s24 =	sshra.s32 s19, $0xD;
	s21 =	rddreg [dreg:$0x2];
	v5 =	vperm.xlane v5, v1;
	v4 =	vsel vm6, s18, v4;
	v6 =	vsel vm3, s23, v6  }
0x96: {  	s25 =	sadd.s32 s15, s21;
	v7 =	vperm.xlane v7, v1;
	v4 =	vsel vm7, s22, v4;
	v6 =	vsel vm7, s24, v6  }
0x97: {  	v58 =	vor.u32 s25, v0;
	v4 =	vperm.xlane v4, v2;
	v6 =	vperm.xlane v6, v2  }
0x98: {  	v59 =	vmulhi.u32 $0x4EC4EC4F, v58  }
0x99: {  	v4 =	vsel vm8, v4, v7;
	v5 =	vsel vm8, v6, v5  }
0x9a: {  	v60 =	vshrl.u32 v59, $0x3;
	v4 =	vadd.s32 v4, v5  }
0x9b: {  	v61 =	vmul.u32 $0x1A, v60;
	v4 =	vmul.u32 $0x186A0, v4;
	_ =	sdelay $0x1  }
0x9c: {  	v5 =	vsub.s32 v58, v61;
	v3 =	vsub.s32 v3, v4  }
0x9d: {  	s26 =	sand.u32 $0x3E00, s16;
	v62 =	vmul.u32 $0x186A0, v5;
	vm9 =	vlt.s32 v3, $0x0;
	v63 =	vadd.s32 $0x186A0, v3  }
0x9e: {  	s28 =	sand.u32 $0x70, s15;
	s0 =	sshrl.u32 s26, $0x2;
	v3 =	vsel vm9, v63, v3  }
0x9f: {  	s1 =	simm.s32 $0x80;
	s0 =	sor.u32 s28, s0;
	v3 =	vadd.s32 v62, v3  }
0xa0: {  	s3 =	simm.s32 $0x1A00;
	s29 =	simm.s32 $0xD00;
	[tilespmem:s0+$0xD00] =	vst v3;
	s0 =	rddreg [dreg:$0x9]  }
0xa1: {  	[tilespmem:s3], [sflag:$0x1] =	stream.indirect.gather [hbm4b:s0+s1], $0x20, s29, s1, $0xb8;
	[tilespmem:$0x1BA00] =	vst v63  }
0xa2: {  	s30 =	simm.s32 $0xD80;
	s31 =	simm.s32 $0x2A00  }
0xa3: {  	[tilespmem:s31], [sflag:$0x1] =	stream.indirect.gather [hbm4b:s0+s1], $0x20, s30, s1, $0xb8;
	[tilespmem:$0x1BA00] =	vst v63  }
0xa4: {  	s5 =	simm.s32 $0xE00;
	s6 =	simm.s32 $0x3A00  }
0xa5: {  	[tilespmem:s6], [sflag:$0x1] =	stream.indirect.gather [hbm4b:s0+s1], $0x20, s5, s1, $0xb8;
	[tilespmem:$0x1BA00] =	vst v63  }
0xa6: {  	s7 =	simm.s32 $0xE80;
	s8 =	simm.s32 $0x4A00  }
0xa7: {  	[tilespmem:s8], [sflag:$0x1] =	stream.indirect.gather [hbm4b:s0+s1], $0x20, s7, s1, $0xb8;
	[tilespmem:$0x1BA00] =	vst v63  }
0xa8: {  	s10 =	simm.s32 $0x5A00;
	s9 =	simm.s32 $0xF00  }
0xa9: {  	[tilespmem:s10], [sflag:$0x1] =	stream.indirect.gather [hbm4b:s0+s1], $0x20, s9, s1, $0xb8;
	[tilespmem:$0x1BA00] =	vst v63  }
0xaa: {  	s11 =	simm.s32 $0xF80;
	s12 =	simm.s32 $0x6A00  }
0xab: {  	[tilespmem:s12], [sflag:$0x1] =	stream.indirect.gather [hbm4b:s0+s1], $0x20, s11, s1, $0xb8;
	[tilespmem:$0x1BA00] =	vst v63  }
0xac: {  	s13 =	simm.s32 $0x1000;
	s14 =	simm.s32 $0x7A00  }
0xad: {  	[tilespmem:s14], [sflag:$0x1] =	stream.indirect.gather [hbm4b:s0+s1], $0x20, s13, s1, $0xb8;
	[tilespmem:$0x1BA00] =	vst v63  }
0xae: {  	s16 =	simm.s32 $0x8A00;
	s15 =	simm.s32 $0x1080  }
0xaf: {  	[tilespmem:s16], [sflag:$0x1] =	stream.indirect.gather [hbm4b:s0+s1], $0x20, s15, s1, $0xb8;
	[tilespmem:$0x1BA00] =	vst v63  }
0xb0: {  	s17 =	simm.s32 $0x1100;
	s18 =	simm.s32 $0x9A00  }
0xb1: {  	[tilespmem:s18], [sflag:$0x1] =	stream.indirect.gather [hbm4b:s0+s1], $0x20, s17, s1, $0xb8;
	[tilespmem:$0x1BA00] =	vst v63  }
0xb2: {  	s19 =	simm.s32 $0x1180;
	s20 =	simm.s32 $0xAA00  }
0xb3: {  	[tilespmem:s20], [sflag:$0x1] =	stream.indirect.gather [hbm4b:s0+s1], $0x20, s19, s1, $0xb8;
	[tilespmem:$0x1BA00] =	vst v63  }
0xb4: {  	s21 =	simm.s32 $0x1200;
	s22 =	simm.s32 $0xBA00  }
0xb5: {  	[tilespmem:s22], [sflag:$0x1] =	stream.indirect.gather [hbm4b:s0+s1], $0x20, s21, s1, $0xb8;
	[tilespmem:$0x1BA00] =	vst v63  }
0xb6: {  	s23 =	simm.s32 $0x1280;
	s24 =	simm.s32 $0xCA00  }
0xb7: {  	[tilespmem:s24], [sflag:$0x1] =	stream.indirect.gather [hbm4b:s0+s1], $0x20, s23, s1, $0xb8;
	[tilespmem:$0x1BA00] =	vst v63  }
0xb8: {  	s26 =	simm.s32 $0xDA00;
	s25 =	simm.s32 $0x1300  }
0xb9: {  	[tilespmem:s26], [sflag:$0x1] =	stream.indirect.gather [hbm4b:s0+s1], $0x20, s25, s1, $0xb8;
	[tilespmem:$0x1BA00] =	vst v63  }
0xba: {  	s28 =	simm.s32 $0x1380;
	s29 =	simm.s32 $0xEA00  }
0xbb: {  	[tilespmem:s29], [sflag:$0x1] =	stream.indirect.gather [hbm4b:s0+s1], $0x20, s28, s1, $0xb8;
	[tilespmem:$0x1BA00] =	vst v63  }
0xbc: {  	s30 =	simm.s32 $0x1400;
	s31 =	simm.s32 $0xFA00  }
0xbd: {  	[tilespmem:s31], [sflag:$0x1] =	stream.indirect.gather [hbm4b:s0+s1], $0x20, s30, s1, $0xb8;
	[tilespmem:$0x1BA00] =	vst v63  }
0xbe: {  	s5 =	simm.s32 $0x1480;
	s6 =	simm.s32 $0x10A00  }
0xbf: {  	[tilespmem:s6], [sflag:$0x1] =	stream.indirect.gather [hbm4b:s0+s1], $0x20, s5, s1, $0xb8;
	[tilespmem:$0x1BA00] =	vst v63  }
0xc0: {  	s7 =	simm.s32 $0x1500;
	s8 =	simm.s32 $0x11A00  }
0xc1: {  	[tilespmem:s8], [sflag:$0x1] =	stream.indirect.gather [hbm4b:s0+s1], $0x20, s7, s1, $0xb8;
	[tilespmem:$0x1BA00] =	vst v63  }
0xc2: {  	s9 =	simm.s32 $0x1580;
	s10 =	simm.s32 $0x12A00  }
0xc3: {  	[tilespmem:s10], [sflag:$0x1] =	stream.indirect.gather [hbm4b:s0+s1], $0x20, s9, s1, $0xb8;
	[tilespmem:$0x1BA00] =	vst v63  }
0xc4: {  	s11 =	simm.s32 $0x1600;
	s12 =	simm.s32 $0x13A00  }
0xc5: {  	[tilespmem:s12], [sflag:$0x1] =	stream.indirect.gather [hbm4b:s0+s1], $0x20, s11, s1, $0xb8;
	[tilespmem:$0x1BA00] =	vst v63  }
0xc6: {  	s13 =	simm.s32 $0x1680;
	s14 =	simm.s32 $0x14A00  }
0xc7: {  	[tilespmem:s14], [sflag:$0x1] =	stream.indirect.gather [hbm4b:s0+s1], $0x20, s13, s1, $0xb8;
	[tilespmem:$0x1BA00] =	vst v63  }
0xc8: {  	s15 =	simm.s32 $0x1700;
	s16 =	simm.s32 $0x15A00  }
0xc9: {  	[tilespmem:s16], [sflag:$0x1] =	stream.indirect.gather [hbm4b:s0+s1], $0x20, s15, s1, $0xb8;
	[tilespmem:$0x1BA00] =	vst v63  }
0xca: {  	s17 =	simm.s32 $0x1780;
	s18 =	simm.s32 $0x16A00  }
0xcb: {  	[tilespmem:s18], [sflag:$0x1] =	stream.indirect.gather [hbm4b:s0+s1], $0x20, s17, s1, $0xb8;
	[tilespmem:$0x1BA00] =	vst v63  }
0xcc: {  	s19 =	simm.s32 $0x1800;
	s20 =	simm.s32 $0x17A00  }
0xcd: {  	[tilespmem:s20], [sflag:$0x1] =	stream.indirect.gather [hbm4b:s0+s1], $0x20, s19, s1, $0xb8;
	[tilespmem:$0x1BA00] =	vst v63  }
0xce: {  	s21 =	simm.s32 $0x1880;
	s22 =	simm.s32 $0x18A00  }
0xcf: {  	[tilespmem:s22], [sflag:$0x1] =	stream.indirect.gather [hbm4b:s0+s1], $0x20, s21, s1, $0xb8;
	[tilespmem:$0x1BA00] =	vst v63  }
0xd0: {  	s23 =	simm.s32 $0x1900;
	s24 =	simm.s32 $0x19A00  }
0xd1: {  	[tilespmem:s24], [sflag:$0x1] =	stream.indirect.gather [hbm4b:s0+s1], $0x20, s23, s1, $0xb8;
	[tilespmem:$0x1BA00] =	vst v63  }
0xd2: {  	s25 =	simm.s32 $0x1980;
	s26 =	simm.s32 $0x1AA00;
	s28 =	simm.s32 $0x1  }
0xd3: {  	[tilespmem:s26], [sflag:$0x1] =	stream.indirect.gather [hbm4b:s0+s1], $0x20, s25, s1, $0xb8;
	[tilespmem:$0x1BA00] =	vst v63  }
0xd4: {  	_ =	swait.ge [sflag:s28], $0x1A000  }
0xd5: {  	s8 =	simm.s32 $0x0;
	[sflag:s28] =	ssyncset.done $0x0  }
0xd6: {  	s1 =	simm.s32 $0x2;
	s29 =	rddreg [dreg:$0xb];
	[sflag:s28] =	ssyncadd.s32 $0xFFFE6000  }
0xd7: {  	[hbm4b:s29+s8] =	stream.linear.scatter [tilespmem:s3], [sflag:$0x2], $0x1A000, $0x38;
	[tilespmem:$0x1BA00] =	vst v63  }
0xd8: {  	_ =	swait.ge [sflag:s1], $0x1A000  }
0xd9: {  	s30 =	rddreg [dreg:$0xd]  }
0xda: {  	s31 =	rddreg [dreg:$0xc];
	s2 =	sadd.s32 $0x1, s30  }
0xdb: {  	p0 =	sne.s32 s2, s31  }
.Ltmp1:
0xdc: {  	_ = 	snop;
	(pc) =	sbr.rel @p0 .LBB2_1-.Ltmp1, $3  }
0xdd: {  	_ =	sdelay $0x1  }
0xde: {  	[sflag:s1] =	ssyncset.done $0x0  }
0xdf: {  	[sflag:s1] =	ssyncadd.s32 $0xFFFE6000  }
0xe0: {  	_ =	sfence.sel $0x180000  }
0xe1: {  	[bflag:$0x0] =	sbarrier.arrive $0xFFFF  }
0xe2: {  	_ =	strace $0x90000047  }
0xe3: {  	s0 =	stileid.u32;
	[bflag:$0x2] =	sbarrier.arrive $0xFFFF  }
0xe4: {  	p0 =	sne.s32 s0, $0x0;
	s0 =	rddreg [dreg:$0x1]  }
0xe5: {  	s0 =	sadd.s32 @!p0 $0x100000, s0  }
0xe6: {  	[sflag:s0] =	ssyncadd.tile.s32 @!p0 $0x1;
	_ =	shalt  }
.Lfunc_end2:
_tile_overlayer_lowered:
.L_overlay_start_2:
0xe7: {  	(tag) =	ssettag $0x2  }
0xe8: {  	s0 =	rddreg [dreg:$0x0];
	s2 =	stileid.u32  }
0xe9: {  	s1 =	rddreg [dreg:$0x1];
	p0 =	sne.s32 s2, $0x0  }
0xea: {  	s3 =	rddreg [dreg:$0x2];
	[bflag:$0x3] =	sbarrier.arrive $0xFFFF;
	s2 =	simm.s32 @!p0 $0x1C02  }
0xeb: {  	[timem:s3], [sflag:s2] =	dma.local @!p0 [hbm:s0], s1  }
0xec: {  	s0 =	simm.s32 @!p0 $0x2  }
0xed: {  	_ =	swait.ge @!p0 [sflag:s0], s1  }
0xee: {  	s1 =	ssub.s32 @!p0 $0x0, s1;
	[sflag:s0] =	ssyncset.done @!p0 $0x0  }
0xef: {  	[sflag:s0] =	ssyncadd.s32 @!p0 s1  }
0xf0: {  	[bflag:$0x3] =	sbarrier.arrive $0xFFFF  }
0xf1: {  	_ =	shalt  }

</sc_bundles>
